<compile_context>
chip_gen: v7x
topology: tpu7x:2x2x1
jax: 0.10.2.dev20260603
libtpu: 0.0.44.dev20260713+nightly
codegen_flags: <defaults>
</compile_context>

<pallas_src>
import functools

import jax
import jax.numpy as jnp
from jax.experimental import pallas as pl

_F32 = jnp.float32



def _batchnorm(x):
    axes = tuple(i for i in range(x.ndim) if i != 1)
    mean = jnp.mean(x, axis=axes, keepdims=True)
    var = jnp.var(x, axis=axes, keepdims=True)
    return (x - mean) / jnp.sqrt(var + 1e-5)


def _conv(x, W, b):
    y = jnp.tensordot(W, x, axes=[[1], [1]])
    y = jnp.moveaxis(y, 0, 1)
    return y + b.reshape((1, -1) + (1,) * (y.ndim - 2))


def _square_distance(src, dst):
    return jnp.sum((src[:, :, None, :] - dst[:, None, :, :]) ** 2, axis=-1)


def _index_points(points, idx):
    batch_idx = jnp.arange(points.shape[0]).reshape((-1,) + (1,) * (idx.ndim - 1))
    return points[batch_idx, idx]


def _fps_pallas_kernel(npoint, x_ref, o_ref):
    Bc = x_ref.shape[0]
    Nc = x_ref.shape[2]
    xyz3 = x_ref[...]
    lane = jax.lax.broadcasted_iota(jnp.int32, (Bc, Nc), 1)
    lane_np = jax.lax.broadcasted_iota(jnp.int32, (Bc, npoint), 1)

    def body(i, state):
        distance, farthest = state
        far_b = farthest + jnp.zeros((Bc, npoint), dtype=jnp.int32)
        o_ref[...] = jnp.where(lane_np == i, far_b, o_ref[...])
        maskc = (lane == farthest)[:, None, :]
        c = jnp.sum(jnp.where(maskc, xyz3, 0.0), axis=2)
        d = xyz3 - c[:, :, None]
        sq = d * d
        dist = (sq[:, 0] + sq[:, 1]) + sq[:, 2]
        distance = jnp.minimum(distance, dist)
        far = jnp.argmax(distance, axis=-1).astype(jnp.int32)
        return distance, far[:, None]

    init = (jnp.full((Bc, Nc), 1e10, dtype=_F32),
            jnp.zeros((Bc, 1), dtype=jnp.int32))
    jax.lax.fori_loop(0, npoint, body, init)


def _farthest_point_sample(xyz, npoint):
    Bc = xyz.shape[0]
    x3 = jnp.transpose(xyz, (0, 2, 1))
    return pl.pallas_call(
        functools.partial(_fps_pallas_kernel, npoint),
        out_shape=jax.ShapeDtypeStruct((Bc, npoint), jnp.int32),
    )(x3)


def _knn_point(nsample, xyz, new_xyz):
    d = _square_distance(new_xyz, xyz)
    _, idx = jax.lax.top_k(-d, nsample)
    return idx


def _compute_density(xyz, bandwidth):
    sqrdists = _square_distance(xyz, xyz)
    g = jnp.exp(-sqrdists / (2.0 * bandwidth * bandwidth)) / (2.5 * bandwidth)
    return jnp.mean(g, axis=-1)


def _sa_forward(p, xyz, points, npoint, nsample, bandwidth):
    xyz_t = jnp.transpose(xyz, (0, 2, 1))
    points_t = jnp.transpose(points, (0, 2, 1))
    density = _compute_density(xyz_t, bandwidth)
    inv_density = 1.0 / density
    fps_idx = _farthest_point_sample(jax.lax.stop_gradient(xyz_t), npoint)
    new_xyz = _index_points(xyz_t, fps_idx)
    idx = _knn_point(nsample, jax.lax.stop_gradient(xyz_t),
                     jax.lax.stop_gradient(new_xyz))
    grouped_xyz = _index_points(xyz_t, idx)
    grouped_xyz_norm = grouped_xyz - new_xyz[:, :, None, :]
    grouped_points = _index_points(points_t, idx)
    new_points = jnp.concatenate([grouped_xyz_norm, grouped_points], axis=-1)
    grouped_density = _index_points(inv_density[:, :, None], idx)
    new_points = jnp.transpose(new_points, (0, 3, 2, 1))
    for W, b in p['mlp']:
        new_points = jax.nn.relu(_batchnorm(_conv(new_points, W, b)))
    inv_max = jnp.max(grouped_density, axis=2, keepdims=True)
    ds = jnp.transpose(grouped_density / inv_max, (0, 3, 2, 1))
    for W, b in p['density']:
        ds = jax.nn.relu(_batchnorm(_conv(ds, W, b)))
    new_points = new_points * ds
    wts = jnp.transpose(grouped_xyz_norm, (0, 3, 2, 1))
    for W, b in p['weight']:
        wts = jax.nn.relu(_batchnorm(_conv(wts, W, b)))
    a = jnp.transpose(new_points, (0, 3, 1, 2))
    w_ = jnp.transpose(wts, (0, 3, 2, 1))
    out = jnp.matmul(a, w_).reshape(a.shape[0], npoint, -1)
    Wl, bl = p['linear']
    out = out @ Wl.T + bl
    out = jax.nn.relu(_batchnorm(jnp.transpose(out, (0, 2, 1))))
    return jnp.transpose(new_xyz, (0, 2, 1)), out


def _fp_forward(p, xyz1, xyz2, points1, points2):
    x1 = jnp.transpose(xyz1, (0, 2, 1))
    x2 = jnp.transpose(xyz2, (0, 2, 1))
    p2 = jnp.transpose(points2, (0, 2, 1))
    d = _square_distance(x1, x2)
    neg, idx = jax.lax.top_k(-d, 3)
    dists = jnp.maximum(-neg, 0.0)
    recip = 1.0 / (dists + 1e-8)
    weight = recip / jnp.sum(recip, axis=2, keepdims=True)
    interp = jnp.sum(_index_points(p2, idx) * weight[..., None], axis=2)
    if points1 is not None:
        new = jnp.concatenate([jnp.transpose(points1, (0, 2, 1)), interp], axis=-1)
    else:
        new = interp
    new = jnp.transpose(new, (0, 2, 1))
    for W, b in p['mlp']:
        new = jax.nn.relu(_batchnorm(_conv(new, W, b)))
    return new



def _head_kernel(x_ref, w1_ref, b1_ref, w2_ref, b2_ref, o_ref):
    x = x_ref[...]
    Bq, C, N = x.shape
    X = x.transpose(1, 0, 2).reshape(C, Bq * N)
    Z = jnp.dot(w1_ref[...], X, preferred_element_type=jnp.float32)
    Z = Z + b1_ref[...].reshape(-1, 1)
    mu = jnp.mean(Z, axis=1, keepdims=True)
    var = jnp.mean(jnp.square(Z - mu), axis=1, keepdims=True)
    A = jnp.maximum((Z - mu) / jnp.sqrt(var + 1e-5), 0.0)
    Y = jnp.dot(w2_ref[...], A, preferred_element_type=jnp.float32)
    Y = Y + b2_ref[...].reshape(-1, 1)
    m = jnp.max(Y, axis=0, keepdims=True)
    ls = Y - (m + jnp.log(jnp.sum(jnp.exp(Y - m), axis=0, keepdims=True)))
    o_ref[...] = ls.reshape(2, Bq, N).transpose(1, 0, 2)


def _head(x, W1, b1, W2, b2):
    Bq, C, N = x.shape
    return pl.pallas_call(
        _head_kernel,
        out_shape=jax.ShapeDtypeStruct((Bq, 2, N), jnp.float32),
    )(x, W1, b1, W2, b2)



def kernel(xyz, params):
    l0_points = xyz
    l0_xyz = xyz[:, :3, :]
    l1_xyz, l1_points = _sa_forward(params['sa1'], l0_xyz, l0_points, 1024, 32, 0.1)
    l2_xyz, l2_points = _sa_forward(params['sa2'], l1_xyz, l1_points, 256, 32, 0.2)
    l3_xyz, l3_points = _sa_forward(params['sa3'], l2_xyz, l2_points, 64, 32, 0.4)
    l4_xyz, l4_points = _sa_forward(params['sa4'], l3_xyz, l3_points, 16, 32, 0.8)
    l3_points = _fp_forward(params['fp4'], l3_xyz, l4_xyz, l3_points, l4_points)
    l2_points = _fp_forward(params['fp3'], l2_xyz, l3_xyz, l2_points, l3_points)
    l1_points = _fp_forward(params['fp2'], l1_xyz, l2_xyz, l1_points, l2_points)
    l0_points = _fp_forward(params['fp1'], l0_xyz, l1_xyz, None, l1_points)
    W1, b1 = params['head']['conv1']
    W2, b2 = params['head']['conv2']
    return _head(l0_points, W1, b1, W2, b2)

# --- scband reference (transcript-rebuilt; emitter-appended) ---
"""Pipeline reference for scband-pointconv-52725018526360 (READ-ONLY COPY).

The authoritative reference and input builder live on the scoring server;
editing this copy changes nothing except your own understanding.
"""

import jax, jax.numpy as jnp
import numpy as np

B, N = 4, 2048

def _lin(key, out_c, in_c):
    k1, k2 = jax.random.split(key)
    return [jax.random.normal(k1, (out_c, in_c), dtype=jnp.float32) * 0.1, jax.random.normal(k2, (out_c,), dtype=jnp.float32) * 0.01]

def _mlp(keys, chs):
    return [_lin(next(keys), chs[i + 1], chs[i]) for i in range(len(chs) - 1)]

def init_params(key):
    keys = iter(jax.random.split(key, 64))
    params = {}
    for name, in_c, m in [('sa1', 9, [32, 32, 64]), ('sa2', 67, [64, 64, 128]), ('sa3', 131, [128, 128, 256]), ('sa4', 259, [256, 256, 512])]:
        params[name] = {'mlp': _mlp(keys, [in_c] + m), 'weight': _mlp(keys, [3, 8, 8, 16]), 'density': _mlp(keys, [1, 16, 8, 1]), 'linear': _lin(next(keys), m[-1], 16 * m[-1])}
    params['fp4'] = {'mlp': _mlp(keys, [768, 512, 256])}
    params['fp3'] = {'mlp': _mlp(keys, [384, 256, 256])}
    params['fp2'] = {'mlp': _mlp(keys, [320, 256, 128])}
    params['fp1'] = {'mlp': _mlp(keys, [128, 128, 128, 128])}
    params['head'] = {'conv1': _lin(next(keys), 128, 128), 'conv2': _lin(next(keys), 2, 128)}
    return params

def setup_inputs(seed: int = 0):
    key = jax.random.key(seed)
    k1, k2 = jax.random.split(key)
    xyz = jax.random.normal(k1, (B, 6, N), dtype=jnp.float32)
    params = init_params(k2)
    return {'xyz': xyz, 'params': params}

def batchnorm(x):
    axes = tuple(i for i in range(x.ndim) if i != 1)
    mean = jnp.mean(x, axis=axes, keepdims=True)
    var = jnp.var(x, axis=axes, keepdims=True)
    return (x - mean) / jnp.sqrt(var + 1e-5)

def conv(x, W, b):
    y = jnp.tensordot(W, x, axes=[[1], [1]])
    y = jnp.moveaxis(y, 0, 1)
    return y + b.reshape((1, -1) + (1,) * (y.ndim - 2))

def square_distance(src, dst):
    return jnp.sum((src[:, :, None, :] - dst[:, None, :, :]) ** 2, axis=-1)

def index_points(points, idx):
    batch_idx = jnp.arange(points.shape[0]).reshape((-1,) + (1,) * (idx.ndim - 1))
    return points[batch_idx, idx]

def farthest_point_sample(xyz, npoint):
    Bc, Nc, _ = xyz.shape
    barange = jnp.arange(Bc)
    def body(i, state):
        centroids, distance, farthest = state
        centroids = centroids.at[:, i].set(farthest)
        centroid = xyz[barange, farthest][:, None, :]
        dist = jnp.sum((xyz - centroid) ** 2, axis=-1)
        distance = jnp.minimum(distance, dist)
        farthest = jnp.argmax(distance, axis=-1).astype(jnp.int32)
        return centroids, distance, farthest
    init = (jnp.zeros((Bc, npoint), dtype=jnp.int32), jnp.full((Bc, Nc), 1e10, dtype=jnp.float32), jnp.zeros((Bc,), dtype=jnp.int32))
    centroids, _, _ = jax.lax.fori_loop(0, npoint, body, init)
    return centroids

def knn_point(nsample, xyz, new_xyz):
    d = square_distance(new_xyz, xyz)
    _, idx = jax.lax.top_k(-d, nsample)
    return idx

def compute_density(xyz, bandwidth):
    sqrdists = square_distance(xyz, xyz)
    g = jnp.exp(-sqrdists / (2.0 * bandwidth * bandwidth)) / (2.5 * bandwidth)
    return jnp.mean(g, axis=-1)

def sa_forward(p, xyz, points, npoint, nsample, bandwidth):
    xyz_t = jnp.transpose(xyz, (0, 2, 1))
    points_t = jnp.transpose(points, (0, 2, 1))
    density = compute_density(xyz_t, bandwidth)
    inv_density = 1.0 / density
    fps_idx = farthest_point_sample(jax.lax.stop_gradient(xyz_t), npoint)
    new_xyz = index_points(xyz_t, fps_idx)
    idx = knn_point(nsample, jax.lax.stop_gradient(xyz_t), jax.lax.stop_gradient(new_xyz))
    grouped_xyz = index_points(xyz_t, idx)
    grouped_xyz_norm = grouped_xyz - new_xyz[:, :, None, :]
    grouped_points = index_points(points_t, idx)
    new_points = jnp.concatenate([grouped_xyz_norm, grouped_points], axis=-1)
    grouped_density = index_points(inv_density[:, :, None], idx)
    new_points = jnp.transpose(new_points, (0, 3, 2, 1))
    for W, b in p['mlp']:
        new_points = jax.nn.relu(batchnorm(conv(new_points, W, b)))
    inv_max = jnp.max(grouped_density, axis=2, keepdims=True)
    ds = jnp.transpose(grouped_density / inv_max, (0, 3, 2, 1))
    for W, b in p['density']:
        ds = jax.nn.relu(batchnorm(conv(ds, W, b)))
    new_points = new_points * ds
    wts = jnp.transpose(grouped_xyz_norm, (0, 3, 2, 1))
    for W, b in p['weight']:
        wts = jax.nn.relu(batchnorm(conv(wts, W, b)))
    a = jnp.transpose(new_points, (0, 3, 1, 2))
    w_ = jnp.transpose(wts, (0, 3, 2, 1))
    out = jnp.matmul(a, w_).reshape(a.shape[0], npoint, -1)
    Wl, bl = p['linear']
    out = out @ Wl.T + bl
    out = jax.nn.relu(batchnorm(jnp.transpose(out, (0, 2, 1))))
    return jnp.transpose(new_xyz, (0, 2, 1)), out

def fp_forward(p, xyz1, xyz2, points1, points2):
    x1 = jnp.transpose(xyz1, (0, 2, 1))
    x2 = jnp.transpose(xyz2, (0, 2, 1))
    p2 = jnp.transpose(points2, (0, 2, 1))
    d = square_distance(x1, x2)
    neg, idx = jax.lax.top_k(-d, 3)
    dists = jnp.maximum(-neg, 0.0)
    recip = 1.0 / (dists + 1e-8)
    weight = recip / jnp.sum(recip, axis=2, keepdims=True)
    interp = jnp.sum(index_points(p2, idx) * weight[..., None], axis=2)
    if points1 is not None:
        new = jnp.concatenate([jnp.transpose(points1, (0, 2, 1)), interp], axis=-1)
    else:
        new = interp
    new = jnp.transpose(new, (0, 2, 1))
    for W, b in p['mlp']:
        new = jax.nn.relu(batchnorm(conv(new, W, b)))
    return new

def _forward(xyz, params):
    l0_points = xyz
    l0_xyz = xyz[:, :3, :]
    l1_xyz, l1_points = sa_forward(params['sa1'], l0_xyz, l0_points, 1024, 32, 0.1)
    l2_xyz, l2_points = sa_forward(params['sa2'], l1_xyz, l1_points, 256, 32, 0.2)
    l3_xyz, l3_points = sa_forward(params['sa3'], l2_xyz, l2_points, 64, 32, 0.4)
    l4_xyz, l4_points = sa_forward(params['sa4'], l3_xyz, l3_points, 16, 32, 0.8)
    l3_points = fp_forward(params['fp4'], l3_xyz, l4_xyz, l3_points, l4_points)
    l2_points = fp_forward(params['fp3'], l2_xyz, l3_xyz, l2_points, l3_points)
    l1_points = fp_forward(params['fp2'], l1_xyz, l2_xyz, l1_points, l2_points)
    l0_points = fp_forward(params['fp1'], l0_xyz, l1_xyz, None, l1_points)
    W1, b1 = params['head']['conv1']
    x = jax.nn.relu(batchnorm(conv(l0_points, W1, b1)))
    W2, b2 = params['head']['conv2']
    x = conv(x, W2, b2)
    return jax.nn.log_softmax(x, axis=1)

def reference(xyz, params):
    return _forward(xyz, params)

if __name__ == "__main__":
    import jax
    _d = setup_inputs()
    print(jax.jit(kernel)(*tuple(_d.values())))

</pallas_src>

<mosaic_0001>
module attributes {stable_mosaic.version = 14 : i64} {
  func.func @_fps_pallas_kernel(%arg0: memref<4x3x2048xf32, #tpu.memory_space<vmem>>, %arg1: memref<4x1024xi32, #tpu.memory_space<vmem>>) attributes {dimension_semantics = [], scalar_prefetch = 0 : i64, scratch_operands = 0 : i64, tpu.core_type = #tpu.core_type<tc>} {
    %get3A = arith.constant 0 : index
    %get3A_0 = arith.constant 0 : index
    %get3A_1 = arith.constant 0 : index
    %get3A_2 = vector.load %arg0[%get3A, %get3A_0, %get3A_1] : memref<4x3x2048xf32, #tpu.memory_space<vmem>>, vector<4x3x2048xf32>
    %iota3A = tpu.iota {dimensions = array<i32: 1>} : vector<4x2048xi32>
    %iota3A_3 = tpu.iota {dimensions = array<i32: 1>} : vector<4x1024xi32>
    %broadcast_in_dim3A = arith.constant 1.000000e+10 : f32
    %broadcast_in_dim3A_4 = vector.broadcast %broadcast_in_dim3A : f32 to vector<4x2048xf32>
    %broadcast_in_dim3A_5 = arith.constant 0 : i32
    %broadcast_in_dim3A_6 = vector.broadcast %broadcast_in_dim3A_5 : i32 to vector<4x1xi32>
    %scan3A = arith.constant 0 : i32
    %scan3A_7 = arith.constant 1024 : i32
    %scan3A_8 = arith.addi %scan3A, %scan3A_7 : i32
    %scan3A_9 = arith.constant 1 : i32
    %scan3A_10:2 = scf.for %scan3A_12 = %scan3A to %scan3A_8 step %scan3A_9 iter_args(%scan3A_13 = %broadcast_in_dim3A_4, %scan3A_14 = %broadcast_in_dim3A_6) -> (vector<4x2048xf32>, vector<4x1xi32>)  : i32 {
      %broadcast_in_dim3A_15 = arith.constant 0 : i32
      %broadcast_in_dim3A_16 = vector.broadcast %broadcast_in_dim3A_15 : i32 to vector<4x1024xi32>
      %add3A = vector.broadcast %scan3A_14 : vector<4x1xi32> to vector<4x1024xi32>
      %add3A_17 = arith.addi %add3A, %broadcast_in_dim3A_16 : vector<4x1024xi32>
      %eq3A = vector.broadcast %scan3A_12 : i32 to vector<4x1024xi32>
      %eq3A_18 = arith.cmpi eq, %iota3A_3, %eq3A : vector<4x1024xi32>
      %get3A_19 = arith.constant 0 : index
      %get3A_20 = arith.constant 0 : index
      %get3A_21 = vector.load %arg1[%get3A_19, %get3A_20] : memref<4x1024xi32, #tpu.memory_space<vmem>>, vector<4x1024xi32>
      %select_n3A = arith.select %eq3A_18, %add3A_17, %get3A_21 : vector<4x1024xi1>, vector<4x1024xi32>
      %swap3A = arith.constant 0 : index
      %swap3A_22 = arith.constant 0 : index
      %swap3A_23 = vector.load %arg1[%swap3A, %swap3A_22] : memref<4x1024xi32, #tpu.memory_space<vmem>>, vector<4x1024xi32>
      tpu.vector_store %arg1[%swap3A, %swap3A_22], %select_n3A {strides = array<i32>} : memref<4x1024xi32, #tpu.memory_space<vmem>>, vector<4x1024xi32>,
      %eq3A_24 = vector.broadcast %scan3A_14 : vector<4x1xi32> to vector<4x2048xi32>
      %eq3A_25 = arith.cmpi eq, %iota3A, %eq3A_24 : vector<4x2048xi32>
      %broadcast_in_dim3A_26 = vector.shape_cast %eq3A_25 : vector<4x2048xi1> to vector<4x1x2048xi1>
      %jit3A = arith.constant 0.000000e+00 : f32
      %broadcast_in_dim3A_27 = vector.shape_cast %broadcast_in_dim3A_26 : vector<4x1x2048xi1> to vector<4x1x2048xi1>
      %broadcast_in_dim3A_28 = vector.broadcast %broadcast_in_dim3A_27 : vector<4x1x2048xi1> to vector<4x3x2048xi1>
      %broadcast_in_dim3A_29 = vector.broadcast %jit3A : f32 to vector<4x3x2048xf32>
      %select_n3A_30 = arith.select %broadcast_in_dim3A_28, %get3A_2, %broadcast_in_dim3A_29 : vector<4x3x2048xi1>, vector<4x3x2048xf32>
      %reduce_sum3A = arith.constant dense<0.000000e+00> : vector<4x3xf32>
      %reduce_sum3A_31 = vector.multi_reduction <add>, %select_n3A_30, %reduce_sum3A [2] : vector<4x3x2048xf32> to vector<4x3xf32>
      %broadcast_in_dim3A_32 = vector.shape_cast %reduce_sum3A_31 : vector<4x3xf32> to vector<4x3x1xf32>
      %sub3A = vector.broadcast %broadcast_in_dim3A_32 : vector<4x3x1xf32> to vector<4x3x2048xf32>
      %sub3A_33 = arith.subf %get3A_2, %sub3A : vector<4x3x2048xf32>
      %mul3A = arith.mulf %sub3A_33, %sub3A_33 : vector<4x3x2048xf32>
      %slice3A = vector.extract_strided_slice %mul3A {offsets = [0, 0, 0], sizes = [4, 1, 2048], strides = [1, 1, 1]} : vector<4x3x2048xf32> to vector<4x1x2048xf32>
      %squeeze3A = vector.shape_cast %slice3A : vector<4x1x2048xf32> to vector<4x2048xf32>
      %slice3A_34 = vector.extract_strided_slice %mul3A {offsets = [0, 1, 0], sizes = [4, 1, 2048], strides = [1, 1, 1]} : vector<4x3x2048xf32> to vector<4x1x2048xf32>
      %squeeze3A_35 = vector.shape_cast %slice3A_34 : vector<4x1x2048xf32> to vector<4x2048xf32>
      %add3A_36 = arith.addf %squeeze3A, %squeeze3A_35 : vector<4x2048xf32>
      %slice3A_37 = vector.extract_strided_slice %mul3A {offsets = [0, 2, 0], sizes = [4, 1, 2048], strides = [1, 1, 1]} : vector<4x3x2048xf32> to vector<4x1x2048xf32>
      %squeeze3A_38 = vector.shape_cast %slice3A_37 : vector<4x1x2048xf32> to vector<4x2048xf32>
      %add3A_39 = arith.addf %add3A_36, %squeeze3A_38 : vector<4x2048xf32>
      %min3A = arith.minimumf %scan3A_13, %add3A_39 : vector<4x2048xf32>
      %argmax3A = tpu.reduce_index %min3A {axis = 1 : i32, kind = #tpu.reduction_kind<arg_max>} : vector<4x2048xf32> -> vector<4xi32>
      %broadcast_in_dim3A_40 = vector.shape_cast %argmax3A : vector<4xi32> to vector<4x1xi32>
      scf.yield %min3A, %broadcast_in_dim3A_40 : vector<4x2048xf32>, vector<4x1xi32>
    }
    %scan3A_11 = arith.constant 1024 : i32
    return
  }
}

module attributes {stable_mosaic.version = 14 : i64} {
  func.func @_fps_pallas_kernel(%arg0: memref<4x3x1024xf32, #tpu.memory_space<vmem>>, %arg1: memref<4x256xi32, #tpu.memory_space<vmem>>) attributes {dimension_semantics = [], scalar_prefetch = 0 : i64, scratch_operands = 0 : i64, tpu.core_type = #tpu.core_type<tc>} {
    %get3A = arith.constant 0 : index
    %get3A_0 = arith.constant 0 : index
    %get3A_1 = arith.constant 0 : index
    %get3A_2 = vector.load %arg0[%get3A, %get3A_0, %get3A_1] : memref<4x3x1024xf32, #tpu.memory_space<vmem>>, vector<4x3x1024xf32>
    %iota3A = tpu.iota {dimensions = array<i32: 1>} : vector<4x1024xi32>
    %iota3A_3 = tpu.iota {dimensions = array<i32: 1>} : vector<4x256xi32>
    %broadcast_in_dim3A = arith.constant 1.000000e+10 : f32
    %broadcast_in_dim3A_4 = vector.broadcast %broadcast_in_dim3A : f32 to vector<4x1024xf32>
    %broadcast_in_dim3A_5 = arith.constant 0 : i32
    %broadcast_in_dim3A_6 = vector.broadcast %broadcast_in_dim3A_5 : i32 to vector<4x1xi32>
    %scan3A = arith.constant 0 : i32
    %scan3A_7 = arith.constant 256 : i32
    %scan3A_8 = arith.addi %scan3A, %scan3A_7 : i32
    %scan3A_9 = arith.constant 1 : i32
    %scan3A_10:2 = scf.for %scan3A_12 = %scan3A to %scan3A_8 step %scan3A_9 iter_args(%scan3A_13 = %broadcast_in_dim3A_4, %scan3A_14 = %broadcast_in_dim3A_6) -> (vector<4x1024xf32>, vector<4x1xi32>)  : i32 {
      %broadcast_in_dim3A_15 = arith.constant 0 : i32
      %broadcast_in_dim3A_16 = vector.broadcast %broadcast_in_dim3A_15 : i32 to vector<4x256xi32>
      %add3A = vector.broadcast %scan3A_14 : vector<4x1xi32> to vector<4x256xi32>
      %add3A_17 = arith.addi %add3A, %broadcast_in_dim3A_16 : vector<4x256xi32>
      %eq3A = vector.broadcast %scan3A_12 : i32 to vector<4x256xi32>
      %eq3A_18 = arith.cmpi eq, %iota3A_3, %eq3A : vector<4x256xi32>
      %get3A_19 = arith.constant 0 : index
      %get3A_20 = arith.constant 0 : index
      %get3A_21 = vector.load %arg1[%get3A_19, %get3A_20] : memref<4x256xi32, #tpu.memory_space<vmem>>, vector<4x256xi32>
      %select_n3A = arith.select %eq3A_18, %add3A_17, %get3A_21 : vector<4x256xi1>, vector<4x256xi32>
      %swap3A = arith.constant 0 : index
      %swap3A_22 = arith.constant 0 : index
      %swap3A_23 = vector.load %arg1[%swap3A, %swap3A_22] : memref<4x256xi32, #tpu.memory_space<vmem>>, vector<4x256xi32>
      tpu.vector_store %arg1[%swap3A, %swap3A_22], %select_n3A {strides = array<i32>} : memref<4x256xi32, #tpu.memory_space<vmem>>, vector<4x256xi32>,
      %eq3A_24 = vector.broadcast %scan3A_14 : vector<4x1xi32> to vector<4x1024xi32>
      %eq3A_25 = arith.cmpi eq, %iota3A, %eq3A_24 : vector<4x1024xi32>
      %broadcast_in_dim3A_26 = vector.shape_cast %eq3A_25 : vector<4x1024xi1> to vector<4x1x1024xi1>
      %jit3A = arith.constant 0.000000e+00 : f32
      %broadcast_in_dim3A_27 = vector.shape_cast %broadcast_in_dim3A_26 : vector<4x1x1024xi1> to vector<4x1x1024xi1>
      %broadcast_in_dim3A_28 = vector.broadcast %broadcast_in_dim3A_27 : vector<4x1x1024xi1> to vector<4x3x1024xi1>
      %broadcast_in_dim3A_29 = vector.broadcast %jit3A : f32 to vector<4x3x1024xf32>
      %select_n3A_30 = arith.select %broadcast_in_dim3A_28, %get3A_2, %broadcast_in_dim3A_29 : vector<4x3x1024xi1>, vector<4x3x1024xf32>
      %reduce_sum3A = arith.constant dense<0.000000e+00> : vector<4x3xf32>
      %reduce_sum3A_31 = vector.multi_reduction <add>, %select_n3A_30, %reduce_sum3A [2] : vector<4x3x1024xf32> to vector<4x3xf32>
      %broadcast_in_dim3A_32 = vector.shape_cast %reduce_sum3A_31 : vector<4x3xf32> to vector<4x3x1xf32>
      %sub3A = vector.broadcast %broadcast_in_dim3A_32 : vector<4x3x1xf32> to vector<4x3x1024xf32>
      %sub3A_33 = arith.subf %get3A_2, %sub3A : vector<4x3x1024xf32>
      %mul3A = arith.mulf %sub3A_33, %sub3A_33 : vector<4x3x1024xf32>
      %slice3A = vector.extract_strided_slice %mul3A {offsets = [0, 0, 0], sizes = [4, 1, 1024], strides = [1, 1, 1]} : vector<4x3x1024xf32> to vector<4x1x1024xf32>
      %squeeze3A = vector.shape_cast %slice3A : vector<4x1x1024xf32> to vector<4x1024xf32>
      %slice3A_34 = vector.extract_strided_slice %mul3A {offsets = [0, 1, 0], sizes = [4, 1, 1024], strides = [1, 1, 1]} : vector<4x3x1024xf32> to vector<4x1x1024xf32>
      %squeeze3A_35 = vector.shape_cast %slice3A_34 : vector<4x1x1024xf32> to vector<4x1024xf32>
      %add3A_36 = arith.addf %squeeze3A, %squeeze3A_35 : vector<4x1024xf32>
      %slice3A_37 = vector.extract_strided_slice %mul3A {offsets = [0, 2, 0], sizes = [4, 1, 1024], strides = [1, 1, 1]} : vector<4x3x1024xf32> to vector<4x1x1024xf32>
      %squeeze3A_38 = vector.shape_cast %slice3A_37 : vector<4x1x1024xf32> to vector<4x1024xf32>
      %add3A_39 = arith.addf %add3A_36, %squeeze3A_38 : vector<4x1024xf32>
      %min3A = arith.minimumf %scan3A_13, %add3A_39 : vector<4x1024xf32>
      %argmax3A = tpu.reduce_index %min3A {axis = 1 : i32, kind = #tpu.reduction_kind<arg_max>} : vector<4x1024xf32> -> vector<4xi32>
      %broadcast_in_dim3A_40 = vector.shape_cast %argmax3A : vector<4xi32> to vector<4x1xi32>
      scf.yield %min3A, %broadcast_in_dim3A_40 : vector<4x1024xf32>, vector<4x1xi32>
    }
    %scan3A_11 = arith.constant 256 : i32
    return
  }
}

module attributes {stable_mosaic.version = 14 : i64} {
  func.func @_fps_pallas_kernel(%arg0: memref<4x3x256xf32, #tpu.memory_space<vmem>>, %arg1: memref<4x64xi32, #tpu.memory_space<vmem>>) attributes {dimension_semantics = [], scalar_prefetch = 0 : i64, scratch_operands = 0 : i64, tpu.core_type = #tpu.core_type<tc>} {
    %get3A = arith.constant 0 : index
    %get3A_0 = arith.constant 0 : index
    %get3A_1 = arith.constant 0 : index
    %get3A_2 = vector.load %arg0[%get3A, %get3A_0, %get3A_1] : memref<4x3x256xf32, #tpu.memory_space<vmem>>, vector<4x3x256xf32>
    %iota3A = tpu.iota {dimensions = array<i32: 1>} : vector<4x256xi32>
    %iota3A_3 = tpu.iota {dimensions = array<i32: 1>} : vector<4x64xi32>
    %broadcast_in_dim3A = arith.constant 1.000000e+10 : f32
    %broadcast_in_dim3A_4 = vector.broadcast %broadcast_in_dim3A : f32 to vector<4x256xf32>
    %broadcast_in_dim3A_5 = arith.constant 0 : i32
    %broadcast_in_dim3A_6 = vector.broadcast %broadcast_in_dim3A_5 : i32 to vector<4x1xi32>
    %scan3A = arith.constant 0 : i32
    %scan3A_7 = arith.constant 64 : i32
    %scan3A_8 = arith.addi %scan3A, %scan3A_7 : i32
    %scan3A_9 = arith.constant 1 : i32
    %scan3A_10:2 = scf.for %scan3A_12 = %scan3A to %scan3A_8 step %scan3A_9 iter_args(%scan3A_13 = %broadcast_in_dim3A_4, %scan3A_14 = %broadcast_in_dim3A_6) -> (vector<4x256xf32>, vector<4x1xi32>)  : i32 {
      %broadcast_in_dim3A_15 = arith.constant 0 : i32
      %broadcast_in_dim3A_16 = vector.broadcast %broadcast_in_dim3A_15 : i32 to vector<4x64xi32>
      %add3A = vector.broadcast %scan3A_14 : vector<4x1xi32> to vector<4x64xi32>
      %add3A_17 = arith.addi %add3A, %broadcast_in_dim3A_16 : vector<4x64xi32>
      %eq3A = vector.broadcast %scan3A_12 : i32 to vector<4x64xi32>
      %eq3A_18 = arith.cmpi eq, %iota3A_3, %eq3A : vector<4x64xi32>
      %get3A_19 = arith.constant 0 : index
      %get3A_20 = arith.constant 0 : index
      %get3A_21 = vector.load %arg1[%get3A_19, %get3A_20] : memref<4x64xi32, #tpu.memory_space<vmem>>, vector<4x64xi32>
      %select_n3A = arith.select %eq3A_18, %add3A_17, %get3A_21 : vector<4x64xi1>, vector<4x64xi32>
      %swap3A = arith.constant 0 : index
      %swap3A_22 = arith.constant 0 : index
      %swap3A_23 = vector.load %arg1[%swap3A, %swap3A_22] : memref<4x64xi32, #tpu.memory_space<vmem>>, vector<4x64xi32>
      tpu.vector_store %arg1[%swap3A, %swap3A_22], %select_n3A {strides = array<i32>} : memref<4x64xi32, #tpu.memory_space<vmem>>, vector<4x64xi32>,
      %eq3A_24 = vector.broadcast %scan3A_14 : vector<4x1xi32> to vector<4x256xi32>
      %eq3A_25 = arith.cmpi eq, %iota3A, %eq3A_24 : vector<4x256xi32>
      %broadcast_in_dim3A_26 = vector.shape_cast %eq3A_25 : vector<4x256xi1> to vector<4x1x256xi1>
      %jit3A = arith.constant 0.000000e+00 : f32
      %broadcast_in_dim3A_27 = vector.shape_cast %broadcast_in_dim3A_26 : vector<4x1x256xi1> to vector<4x1x256xi1>
      %broadcast_in_dim3A_28 = vector.broadcast %broadcast_in_dim3A_27 : vector<4x1x256xi1> to vector<4x3x256xi1>
      %broadcast_in_dim3A_29 = vector.broadcast %jit3A : f32 to vector<4x3x256xf32>
      %select_n3A_30 = arith.select %broadcast_in_dim3A_28, %get3A_2, %broadcast_in_dim3A_29 : vector<4x3x256xi1>, vector<4x3x256xf32>
      %reduce_sum3A = arith.constant dense<0.000000e+00> : vector<4x3xf32>
      %reduce_sum3A_31 = vector.multi_reduction <add>, %select_n3A_30, %reduce_sum3A [2] : vector<4x3x256xf32> to vector<4x3xf32>
      %broadcast_in_dim3A_32 = vector.shape_cast %reduce_sum3A_31 : vector<4x3xf32> to vector<4x3x1xf32>
      %sub3A = vector.broadcast %broadcast_in_dim3A_32 : vector<4x3x1xf32> to vector<4x3x256xf32>
      %sub3A_33 = arith.subf %get3A_2, %sub3A : vector<4x3x256xf32>
      %mul3A = arith.mulf %sub3A_33, %sub3A_33 : vector<4x3x256xf32>
      %slice3A = vector.extract_strided_slice %mul3A {offsets = [0, 0, 0], sizes = [4, 1, 256], strides = [1, 1, 1]} : vector<4x3x256xf32> to vector<4x1x256xf32>
      %squeeze3A = vector.shape_cast %slice3A : vector<4x1x256xf32> to vector<4x256xf32>
      %slice3A_34 = vector.extract_strided_slice %mul3A {offsets = [0, 1, 0], sizes = [4, 1, 256], strides = [1, 1, 1]} : vector<4x3x256xf32> to vector<4x1x256xf32>
      %squeeze3A_35 = vector.shape_cast %slice3A_34 : vector<4x1x256xf32> to vector<4x256xf32>
      %add3A_36 = arith.addf %squeeze3A, %squeeze3A_35 : vector<4x256xf32>
      %slice3A_37 = vector.extract_strided_slice %mul3A {offsets = [0, 2, 0], sizes = [4, 1, 256], strides = [1, 1, 1]} : vector<4x3x256xf32> to vector<4x1x256xf32>
      %squeeze3A_38 = vector.shape_cast %slice3A_37 : vector<4x1x256xf32> to vector<4x256xf32>
      %add3A_39 = arith.addf %add3A_36, %squeeze3A_38 : vector<4x256xf32>
      %min3A = arith.minimumf %scan3A_13, %add3A_39 : vector<4x256xf32>
      %argmax3A = tpu.reduce_index %min3A {axis = 1 : i32, kind = #tpu.reduction_kind<arg_max>} : vector<4x256xf32> -> vector<4xi32>
      %broadcast_in_dim3A_40 = vector.shape_cast %argmax3A : vector<4xi32> to vector<4x1xi32>
      scf.yield %min3A, %broadcast_in_dim3A_40 : vector<4x256xf32>, vector<4x1xi32>
    }
    %scan3A_11 = arith.constant 64 : i32
    return
  }
}

module attributes {stable_mosaic.version = 14 : i64} {
  func.func @_fps_pallas_kernel(%arg0: memref<4x3x64xf32, #tpu.memory_space<vmem>>, %arg1: memref<4x16xi32, #tpu.memory_space<vmem>>) attributes {dimension_semantics = [], scalar_prefetch = 0 : i64, scratch_operands = 0 : i64, tpu.core_type = #tpu.core_type<tc>} {
    %get3A = arith.constant 0 : index
    %get3A_0 = arith.constant 0 : index
    %get3A_1 = arith.constant 0 : index
    %get3A_2 = vector.load %arg0[%get3A, %get3A_0, %get3A_1] : memref<4x3x64xf32, #tpu.memory_space<vmem>>, vector<4x3x64xf32>
    %iota3A = tpu.iota {dimensions = array<i32: 1>} : vector<4x64xi32>
    %iota3A_3 = tpu.iota {dimensions = array<i32: 1>} : vector<4x16xi32>
    %broadcast_in_dim3A = arith.constant 1.000000e+10 : f32
    %broadcast_in_dim3A_4 = vector.broadcast %broadcast_in_dim3A : f32 to vector<4x64xf32>
    %broadcast_in_dim3A_5 = arith.constant 0 : i32
    %broadcast_in_dim3A_6 = vector.broadcast %broadcast_in_dim3A_5 : i32 to vector<4x1xi32>
    %scan3A = arith.constant 0 : i32
    %scan3A_7 = arith.constant 16 : i32
    %scan3A_8 = arith.addi %scan3A, %scan3A_7 : i32
    %scan3A_9 = arith.constant 1 : i32
    %scan3A_10:2 = scf.for %scan3A_12 = %scan3A to %scan3A_8 step %scan3A_9 iter_args(%scan3A_13 = %broadcast_in_dim3A_4, %scan3A_14 = %broadcast_in_dim3A_6) -> (vector<4x64xf32>, vector<4x1xi32>)  : i32 {
      %broadcast_in_dim3A_15 = arith.constant 0 : i32
      %broadcast_in_dim3A_16 = vector.broadcast %broadcast_in_dim3A_15 : i32 to vector<4x16xi32>
      %add3A = vector.broadcast %scan3A_14 : vector<4x1xi32> to vector<4x16xi32>
      %add3A_17 = arith.addi %add3A, %broadcast_in_dim3A_16 : vector<4x16xi32>
      %eq3A = vector.broadcast %scan3A_12 : i32 to vector<4x16xi32>
      %eq3A_18 = arith.cmpi eq, %iota3A_3, %eq3A : vector<4x16xi32>
      %get3A_19 = arith.constant 0 : index
      %get3A_20 = arith.constant 0 : index
      %get3A_21 = vector.load %arg1[%get3A_19, %get3A_20] : memref<4x16xi32, #tpu.memory_space<vmem>>, vector<4x16xi32>
      %select_n3A = arith.select %eq3A_18, %add3A_17, %get3A_21 : vector<4x16xi1>, vector<4x16xi32>
      %swap3A = arith.constant 0 : index
      %swap3A_22 = arith.constant 0 : index
      %swap3A_23 = vector.load %arg1[%swap3A, %swap3A_22] : memref<4x16xi32, #tpu.memory_space<vmem>>, vector<4x16xi32>
      tpu.vector_store %arg1[%swap3A, %swap3A_22], %select_n3A {strides = array<i32>} : memref<4x16xi32, #tpu.memory_space<vmem>>, vector<4x16xi32>,
      %eq3A_24 = vector.broadcast %scan3A_14 : vector<4x1xi32> to vector<4x64xi32>
      %eq3A_25 = arith.cmpi eq, %iota3A, %eq3A_24 : vector<4x64xi32>
      %broadcast_in_dim3A_26 = vector.shape_cast %eq3A_25 : vector<4x64xi1> to vector<4x1x64xi1>
      %jit3A = arith.constant 0.000000e+00 : f32
      %broadcast_in_dim3A_27 = vector.shape_cast %broadcast_in_dim3A_26 : vector<4x1x64xi1> to vector<4x1x64xi1>
      %broadcast_in_dim3A_28 = vector.broadcast %broadcast_in_dim3A_27 : vector<4x1x64xi1> to vector<4x3x64xi1>
      %broadcast_in_dim3A_29 = vector.broadcast %jit3A : f32 to vector<4x3x64xf32>
      %select_n3A_30 = arith.select %broadcast_in_dim3A_28, %get3A_2, %broadcast_in_dim3A_29 : vector<4x3x64xi1>, vector<4x3x64xf32>
      %reduce_sum3A = arith.constant dense<0.000000e+00> : vector<4x3xf32>
      %reduce_sum3A_31 = vector.multi_reduction <add>, %select_n3A_30, %reduce_sum3A [2] : vector<4x3x64xf32> to vector<4x3xf32>
      %broadcast_in_dim3A_32 = vector.shape_cast %reduce_sum3A_31 : vector<4x3xf32> to vector<4x3x1xf32>
      %sub3A = vector.broadcast %broadcast_in_dim3A_32 : vector<4x3x1xf32> to vector<4x3x64xf32>
      %sub3A_33 = arith.subf %get3A_2, %sub3A : vector<4x3x64xf32>
      %mul3A = arith.mulf %sub3A_33, %sub3A_33 : vector<4x3x64xf32>
      %slice3A = vector.extract_strided_slice %mul3A {offsets = [0, 0, 0], sizes = [4, 1, 64], strides = [1, 1, 1]} : vector<4x3x64xf32> to vector<4x1x64xf32>
      %squeeze3A = vector.shape_cast %slice3A : vector<4x1x64xf32> to vector<4x64xf32>
      %slice3A_34 = vector.extract_strided_slice %mul3A {offsets = [0, 1, 0], sizes = [4, 1, 64], strides = [1, 1, 1]} : vector<4x3x64xf32> to vector<4x1x64xf32>
      %squeeze3A_35 = vector.shape_cast %slice3A_34 : vector<4x1x64xf32> to vector<4x64xf32>
      %add3A_36 = arith.addf %squeeze3A, %squeeze3A_35 : vector<4x64xf32>
      %slice3A_37 = vector.extract_strided_slice %mul3A {offsets = [0, 2, 0], sizes = [4, 1, 64], strides = [1, 1, 1]} : vector<4x3x64xf32> to vector<4x1x64xf32>
      %squeeze3A_38 = vector.shape_cast %slice3A_37 : vector<4x1x64xf32> to vector<4x64xf32>
      %add3A_39 = arith.addf %add3A_36, %squeeze3A_38 : vector<4x64xf32>
      %min3A = arith.minimumf %scan3A_13, %add3A_39 : vector<4x64xf32>
      %argmax3A = tpu.reduce_index %min3A {axis = 1 : i32, kind = #tpu.reduction_kind<arg_max>} : vector<4x64xf32> -> vector<4xi32>
      %broadcast_in_dim3A_40 = vector.shape_cast %argmax3A : vector<4xi32> to vector<4x1xi32>
      scf.yield %min3A, %broadcast_in_dim3A_40 : vector<4x64xf32>, vector<4x1xi32>
    }
    %scan3A_11 = arith.constant 16 : i32
    return
  }
}

module attributes {stable_mosaic.version = 14 : i64} {
  func.func @_head_kernel(%arg0: memref<4x128x2048xf32, #tpu.memory_space<vmem>>, %arg1: memref<128x128xf32, #tpu.memory_space<vmem>>, %arg2: memref<128xf32, #tpu.memory_space<vmem>>, %arg3: memref<2x128xf32, #tpu.memory_space<vmem>>, %arg4: memref<2xf32, #tpu.memory_space<vmem>>, %arg5: memref<4x2x2048xf32, #tpu.memory_space<vmem>>) attributes {dimension_semantics = [], scalar_prefetch = 0 : i64, scratch_operands = 0 : i64, tpu.core_type = #tpu.core_type<tc>} {
    %get3A = arith.constant 0 : index
    %get3A_0 = arith.constant 0 : index
    %get3A_1 = arith.constant 0 : index
    %get3A_2 = vector.load %arg0[%get3A, %get3A_0, %get3A_1] : memref<4x128x2048xf32, #tpu.memory_space<vmem>>, vector<4x128x2048xf32>
    %transpose3A = tpu.transpose %get3A_2, [1, 0, 2] : vector<4x128x2048xf32> -> vector<128x4x2048xf32>
    %reshape3A = vector.shape_cast %transpose3A : vector<128x4x2048xf32> to vector<128x8192xf32>
    %get3A_3 = arith.constant 0 : index
    %get3A_4 = arith.constant 0 : index
    %get3A_5 = vector.load %arg1[%get3A_3, %get3A_4] : memref<128x128xf32, #tpu.memory_space<vmem>>, vector<128x128xf32>
    %dot_general3A = arith.constant dense<0.000000e+00> : vector<128x8192xf32>
    %dot_general3A_6 = tpu.matmul %get3A_5, %reshape3A, %dot_general3A {dimension_numbers = #tpu.dot_dimension_numbers<[1], [0], [0], [1], [0, 0, 1, 1], [], []>, transpose_lhs_hint = false} : vector<128x128xf32>, vector<128x8192xf32>, vector<128x8192xf32> -> vector<128x8192xf32>
    %get3A_7 = arith.constant 0 : index
    %get3A_8 = vector.load %arg2[%get3A_7] : memref<128xf32, #tpu.memory_space<vmem>>, vector<128xf32>
    %reshape3A_9 = vector.shape_cast %get3A_8 : vector<128xf32> to vector<128x1xf32>
    %add3A = vector.broadcast %reshape3A_9 : vector<128x1xf32> to vector<128x8192xf32>
    %add3A_10 = arith.addf %dot_general3A_6, %add3A : vector<128x8192xf32>
    %reduce_sum3A = arith.constant dense<0.000000e+00> : vector<128xf32>
    %reduce_sum3A_11 = vector.multi_reduction <add>, %add3A_10, %reduce_sum3A [1] : vector<128x8192xf32> to vector<128xf32>
    %broadcast_in_dim3A = vector.shape_cast %reduce_sum3A_11 : vector<128xf32> to vector<128x1xf32>
    %div3A = arith.constant 8.192000e+03 : f32
    %div3A_12 = vector.broadcast %div3A : f32 to vector<128x1xf32>
    %div3A_13 = arith.divf %broadcast_in_dim3A, %div3A_12 : vector<128x1xf32>
    %sub3A = vector.broadcast %div3A_13 : vector<128x1xf32> to vector<128x8192xf32>
    %sub3A_14 = arith.subf %add3A_10, %sub3A : vector<128x8192xf32>
    %square3A = arith.mulf %sub3A_14, %sub3A_14 : vector<128x8192xf32>
    %reduce_sum3A_15 = arith.constant dense<0.000000e+00> : vector<128xf32>
    %reduce_sum3A_16 = vector.multi_reduction <add>, %square3A, %reduce_sum3A_15 [1] : vector<128x8192xf32> to vector<128xf32>
    %broadcast_in_dim3A_17 = vector.shape_cast %reduce_sum3A_16 : vector<128xf32> to vector<128x1xf32>
    %div3A_18 = arith.constant 8.192000e+03 : f32
    %div3A_19 = vector.broadcast %div3A_18 : f32 to vector<128x1xf32>
    %div3A_20 = arith.divf %broadcast_in_dim3A_17, %div3A_19 : vector<128x1xf32>
    %sub3A_21 = vector.broadcast %div3A_13 : vector<128x1xf32> to vector<128x8192xf32>
    %sub3A_22 = arith.subf %add3A_10, %sub3A_21 : vector<128x8192xf32>
    %add3A_23 = arith.constant 9.99999974E-6 : f32
    %add3A_24 = vector.broadcast %add3A_23 : f32 to vector<128x1xf32>
    %add3A_25 = arith.addf %div3A_20, %add3A_24 : vector<128x1xf32>
    %sqrt3A = math.sqrt %add3A_25 : vector<128x1xf32>
    %div3A_26 = vector.broadcast %sqrt3A : vector<128x1xf32> to vector<128x8192xf32>
    %div3A_27 = arith.divf %sub3A_22, %div3A_26 : vector<128x8192xf32>
    %max3A = arith.constant 0.000000e+00 : f32
    %max3A_28 = vector.broadcast %max3A : f32 to vector<128x8192xf32>
    %max3A_29 = arith.maximumf %div3A_27, %max3A_28 : vector<128x8192xf32>
    %get3A_30 = arith.constant 0 : index
    %get3A_31 = arith.constant 0 : index
    %get3A_32 = vector.load %arg3[%get3A_30, %get3A_31] : memref<2x128xf32, #tpu.memory_space<vmem>>, vector<2x128xf32>
    %dot_general3A_33 = arith.constant dense<0.000000e+00> : vector<2x8192xf32>
    %dot_general3A_34 = tpu.matmul %get3A_32, %max3A_29, %dot_general3A_33 {dimension_numbers = #tpu.dot_dimension_numbers<[1], [0], [0], [1], [0, 0, 1, 1], [], []>, transpose_lhs_hint = false} : vector<2x128xf32>, vector<128x8192xf32>, vector<2x8192xf32> -> vector<2x8192xf32>
    %get3A_35 = arith.constant 0 : index
    %get3A_36 = vector.load %arg4[%get3A_35] : memref<2xf32, #tpu.memory_space<vmem>>, vector<2xf32>
    %reshape3A_37 = vector.shape_cast %get3A_36 : vector<2xf32> to vector<2x1xf32>
    %add3A_38 = vector.broadcast %reshape3A_37 : vector<2x1xf32> to vector<2x8192xf32>
    %add3A_39 = arith.addf %dot_general3A_34, %add3A_38 : vector<2x8192xf32>
    %reduce_max3A = arith.constant dense<0xFF800000> : vector<8192xf32>
    %reduce_max3A_40 = vector.multi_reduction <maximumf>, %add3A_39, %reduce_max3A [0] : vector<2x8192xf32> to vector<8192xf32>
    %broadcast_in_dim3A_41 = vector.shape_cast %reduce_max3A_40 : vector<8192xf32> to vector<1x8192xf32>
    %sub3A_42 = vector.broadcast %broadcast_in_dim3A_41 : vector<1x8192xf32> to vector<2x8192xf32>
    %sub3A_43 = arith.subf %add3A_39, %sub3A_42 : vector<2x8192xf32>
    %exp3A = math.exp %sub3A_43 : vector<2x8192xf32>
    %reduce_sum3A_44 = arith.constant dense<0.000000e+00> : vector<8192xf32>
    %reduce_sum3A_45 = vector.multi_reduction <add>, %exp3A, %reduce_sum3A_44 [0] : vector<2x8192xf32> to vector<8192xf32>
    %broadcast_in_dim3A_46 = vector.shape_cast %reduce_sum3A_45 : vector<8192xf32> to vector<1x8192xf32>
    %log3A = math.log %broadcast_in_dim3A_46 : vector<1x8192xf32>
    %add3A_47 = arith.addf %broadcast_in_dim3A_41, %log3A : vector<1x8192xf32>
    %sub3A_48 = vector.broadcast %add3A_47 : vector<1x8192xf32> to vector<2x8192xf32>
    %sub3A_49 = arith.subf %add3A_39, %sub3A_48 : vector<2x8192xf32>
    %reshape3A_50 = vector.shape_cast %sub3A_49 : vector<2x8192xf32> to vector<2x4x2048xf32>
    %transpose3A_51 = tpu.transpose %reshape3A_50, [1, 0, 2] : vector<2x4x2048xf32> -> vector<4x2x2048xf32>
    %swap3A = arith.constant 0 : index
    %swap3A_52 = arith.constant 0 : index
    %swap3A_53 = arith.constant 0 : index
    %swap3A_54 = vector.load %arg5[%swap3A, %swap3A_52, %swap3A_53] : memref<4x2x2048xf32, #tpu.memory_space<vmem>>, vector<4x2x2048xf32>
    tpu.vector_store %arg5[%swap3A, %swap3A_52, %swap3A_53], %transpose3A_51 {strides = array<i32>} : memref<4x2x2048xf32, #tpu.memory_space<vmem>>, vector<4x2x2048xf32>,
    return
  }
}

</mosaic_0001>

<sc_bundles>
// kernel: gather_offload_async_start
scs
__scs_entry_jumppad:
0x0: {  	(pc) =	sbr.rel $0x88, $3  }
0x1: {  	(tag) =	ssettag $0x0;
	lr =	simm.s32 $0x1  }
0x2: {  	[smem:$0x3F3A] =	sst lr;
	_ =	strace $0xD0000000  }
0x3: {  	_ = 	snop  }
0x4: {  	_ = 	snop  }
0x5: {  	_ = 	snop  }
0x6: {  	_ = 	snop  }
0x7: {  	_ = 	snop  }
__scs_overlays_trampoline_lowered:
0x8: {  	[smem:$0x3F49] =	sst s0  }
0x9: {  	[smem:$0x3F4A] =	sst s1  }
0xa: {  	[smem:$0x3F4B] =	sst s2  }
0xb: {  	[smem:$0x3F4C] =	sst s3  }
0xc: {  	[smem:$0x3F4D] =	sst s4  }
0xd: {  	[smem:$0x3F4E] =	sst s5  }
0xe: {  	[smem:$0x3F4F] =	sst s6  }
0xf: {  	[smem:$0x3F50] =	sst s7  }
0x10: {  	[smem:$0x3F51] =	sst s8  }
0x11: {  	[smem:$0x3F52] =	sst s9;
	s0 =	simm.s32 @!p0 $0x0  }
0x12: {  	s1 =	sld [smem:$0x3F38];
	s0 =	simm.s32 @p0 $0x1  }
0x13: {  	[smem:$0x3F53] =	sst s0;
	s0 =	simm.s32 @!p1 $0x0  }
0x14: {  	s2 =	sld [smem:$0x3F37];
	s0 =	simm.s32 @p1 $0x1  }
0x15: {  	[smem:$0x3F54] =	sst s0;
	s0 =	simm.s32 @!p2 $0x0  }
0x16: {  	s3 =	sld [smem:$0x3FDB];
	s0 =	simm.s32 @p2 $0x1  }
0x17: {  	s4 =	simm.s32 $0x1BF5;
	[smem:$0x3F56] =	sst s0  }
0x18: {  	s0 =	sld [smem:$0x3F39];
	_ =	swait.ge [sflag:s4], $0x0  }
0x19: {  	s7 =	sld [smem:$0x3F3A]  }
0x1a: {  	s8 =	sadd.s32 $0xFFFFE003, lr  }
0x1b: {  	s9 =	sadd.s32 $0xFFFFFEF7, lr;
	s5 =	simm.s32 $0xFFFFFFFF;
	p2 =	slt.u32 s8, $0xFFFFF086  }
0x1c: {  	p1 =	slt.u32 s9, $0xF7A;
	s5 =	simm.s32 @!p2 $0x0  }
0x1d: {  	s5 =	simm.s32 @p1 $0x1;
	p0 =	seq.s32 s7, s2  }
0x1e: {  	s7 =	smul.u32 @!p0 $0xF7A, s2;
	p2 =	seq.s32 @!p0 s5, $0x0  }
0x1f: {  	s9 =	smul.u32 $0xF7A, s1;
	s8 =	simm.s32 @!p0 $0x1BF5;
	p2 =	por !p2, p0  }
0x20: {  	[sflag:s8] =	ssyncset.s32 @!p0 $0xFFFFF086;
	s6 =	sadd.s32 @!p0 s3, s7;
	s7 =	simm.s32 @!p0 $0x108  }
0x21: {  	s3 =	sadd.s32 s3, s9;
	s6 =	sadd.s32 @!p0 $0x88, s6;
	s7 =	simm.s32 @p2 $0x1082  }
0x22: {  	[simem:s7], [sflag:s8] =	dma.local @!p0 [hbm:s6], $0xF7A  }
0x23: {  	s9 =	sor.u32 $0xD0000000, s2;
	s6 =	simm.s32 $0x108;
	_ =	swait.ge @!p0 [sflag:s8], $0x0  }
0x24: {  	s3 =	sadd.s32 $0x88, s3;
	s6 =	simm.s32 @!p1 $0x1082;
	[sflag:s4] =	ssyncset.s32 $0xFFFFF086  }
0x25: {  	[simem:s6], [sflag:s4] =	dma.local [hbm:s3], $0xF7A  }
0x26: {  	[smem:$0x3F3A] =	sst s1;
	(tag) =	ssettag s2;
	_ =	strace s9  }
0x27: {  	s1 =	sld [smem:$0x3F4A]  }
0x28: {  	s2 =	sld [smem:$0x3F4B]  }
0x29: {  	s4 =	sld [smem:$0x3F4D]  }
0x2a: {  	p0 =	seq.s32 s5, $0x0;
	s5 =	sld [smem:$0x3F4E]  }
0x2b: {  	s6 =	sld [smem:$0x3F4F]  }
0x2c: {  	s7 =	sld [smem:$0x3F50]  }
0x2d: {  	s3 =	simm.s32 $0x108;
	s8 =	sld [smem:$0x3F51]  }
0x2e: {  	s3 =	simm.s32 @!p0 $0x1082;
	s9 =	sld [smem:$0x3F52]  }
0x2f: {  	lr =	sadd.s32 s0, s3;
	s0 =	sld [smem:$0x3F49]  }
0x30: {  	s3 =	sld [smem:$0x3F4C]  }
0x31: {  	[smem:$0x3F55] =	sst s10  }
0x32: {  	s10 =	sld [smem:$0x3F53];
	_ =	sdelay $0x3  }
0x33: {  	p0 =	seq.s32 s10, $0x1;
	s10 =	sld [smem:$0x3F55];
	_ =	sdelay $0x3  }
0x34: {  	[smem:$0x3F55] =	sst s10  }
0x35: {  	s10 =	sld [smem:$0x3F54];
	_ =	sdelay $0x3  }
0x36: {  	p1 =	seq.s32 s10, $0x1;
	s10 =	sld [smem:$0x3F55];
	_ =	sdelay $0x3  }
0x37: {  	[smem:$0x3F55] =	sst s10  }
0x38: {  	s10 =	sld [smem:$0x3F56]  }
0x39: {  	_ = 	snop;
	(pc) =	sbr.ind lr, $3  }
0x3a: {  	_ = 	snop  }
0x3b: {  	_ = 	snop  }
0x3c: {  	p2 =	seq.s32 s10, $0x1;
	s10 =	sld [smem:$0x3F55]  }
0x3d: {  	_ =	shalt  }
0x3e: {  	_ =	shalt  }
0x3f: {  	_ =	shalt  }
0x40: {  	_ =	shalt  }
0x41: {  	_ =	shalt  }
0x42: {  	_ =	shalt  }
0x43: {  	_ =	shalt  }
0x44: {  	_ =	shalt  }
0x45: {  	_ =	shalt  }
0x46: {  	_ =	shalt  }
0x47: {  	_ =	shalt  }
0x48: {  	_ =	shalt  }
0x49: {  	_ =	shalt  }
0x4a: {  	_ =	shalt  }
0x4b: {  	_ =	shalt  }
0x4c: {  	_ =	shalt  }
0x4d: {  	_ =	shalt  }
0x4e: {  	_ =	shalt  }
0x4f: {  	_ =	shalt  }
0x50: {  	_ =	shalt  }
0x51: {  	_ =	shalt  }
0x52: {  	_ =	shalt  }
0x53: {  	_ =	shalt  }
0x54: {  	_ =	shalt  }
0x55: {  	_ =	shalt  }
0x56: {  	_ =	shalt  }
0x57: {  	_ =	shalt  }
0x58: {  	_ =	shalt  }
0x59: {  	_ =	shalt  }
0x5a: {  	_ =	shalt  }
0x5b: {  	_ =	shalt  }
0x5c: {  	_ =	shalt  }
0x5d: {  	_ =	shalt  }
0x5e: {  	_ =	shalt  }
0x5f: {  	_ =	shalt  }
0x60: {  	_ =	shalt  }
0x61: {  	_ =	shalt  }
0x62: {  	_ =	shalt  }
0x63: {  	_ =	shalt  }
0x64: {  	_ =	shalt  }
0x65: {  	_ =	shalt  }
0x66: {  	_ =	shalt  }
0x67: {  	_ =	shalt  }
0x68: {  	_ =	shalt  }
0x69: {  	_ =	shalt  }
0x6a: {  	_ =	shalt  }
0x6b: {  	_ =	shalt  }
0x6c: {  	_ =	shalt  }
0x6d: {  	_ =	shalt  }
0x6e: {  	_ =	shalt  }
0x6f: {  	_ =	shalt  }
0x70: {  	_ =	shalt  }
0x71: {  	_ =	shalt  }
0x72: {  	_ =	shalt  }
0x73: {  	_ =	shalt  }
0x74: {  	_ =	shalt  }
0x75: {  	_ =	shalt  }
0x76: {  	_ =	shalt  }
0x77: {  	_ =	shalt  }
0x78: {  	_ =	shalt  }
0x79: {  	_ =	shalt  }
0x7a: {  	_ =	shalt  }
0x7b: {  	_ =	shalt  }
0x7c: {  	_ =	shalt  }
0x7d: {  	_ =	shalt  }
0x7e: {  	_ =	shalt  }
0x7f: {  	_ =	shalt  }
0x80: {  	_ =	shalt  }
0x81: {  	_ =	shalt  }
0x82: {  	_ =	shalt  }
0x83: {  	_ =	shalt  }
0x84: {  	_ =	shalt  }
0x85: {  	_ =	shalt  }
0x86: {  	_ =	shalt  }
0x87: {  	_ =	shalt  }
.Lfunc_end0:
.L_simem_size_0:
called_computation.2_lowered:
.L_overlay_start_0:
0x88: {  	s2 =	sld [smem:$0x3FD9]  }
0x89: {  	s3 =	sld [smem:$0x3FFE];
	_ =	sdelay $0x1  }
0x8a: {  	s1 =	srdreg.scid  }
0x8b: {  	s0 =	sand.u32 $0x1, s1  }
0x8c: {  	s17 =	sshll.u32 s0, $0xA;
	s2 =	sadd.s32 s3, s2  }
0x8d: {  	s2 =	sadd.s32 s2, s17  }
0x8e: {  	[smem:$0x3F61] =	sst s2  }
0x8f: {  	_ = 	snop  }
0x90: {  	s2 =	sld [smem:$0x3FD0];
	(tm) =	ssettm $0x1  }
0x91: {  	s18 =	sld [smem:$0x3FFB];
	_ =	sdelay $0x3  }
0x92: {  	_ =	strace s18  }
0x93: {  	s3 =	sld [smem:$0x3FFC];
	_ =	sdelay $0x3  }
0x94: {  	_ =	strace s3  }
0x95: {  	s3 =	sld [smem:$0x3FFD];
	_ =	sdelay $0x3  }
0x96: {  	_ =	strace s3  }
0x97: {  	_ =	strace $0x8FFFFFFF  }
0x98: {  	s19 =	sld [smem:$0x3FDB];
	_ =	sdelay $0x1  }
0x99: {  	s4 =	simm.s32 $_scs_section_size  }
0x9a: {  	s5 =	simm.s32 $_size__tile_overlayer_lowered;
	s6 =	simm.s32 $_tile_overlayer_lowered  }
0x9b: {  	s22 =	simm.s32 $0x1BFF;
	s21 =	sshll.u32 s6, $0x1;
	s3 =	sadd.s32 s4, s19  }
0x9c: {  	s7 =	simm.s32 $0x0;
	s20 =	sshll.u32 s5, $0x1;
	s5 =	sadd.s32 s21, s3  }
0x9d: {  	[timem:s7], [sflag:s22] =	dma.local [hbm:s5], s20  }
0x9e: {  	_ =	swait.ge [sflag:s22], s20  }
0x9f: {  	s4 =	ssub.s32 $0x0, s20;
	[sflag:s22] =	ssyncset.done $0x0  }
0xa0: {  	[sflag:s22] =	ssyncadd.s32 s4;
	_ =	sdelay $0x1  }
0xa1: {  	s23 =	simm.s32 $0x1B8B  }
0xa2: {  	_ =	swait.ge [sflag:s23], $0x1  }
0xa3: {  	[sflag:s23] =	ssyncset.done $0x0  }
0xa4: {  	s25 =	simm.s32 $0x1B8E;
	s24 =	sld [smem:$0x3FFE];
	[sflag:s23] =	ssyncadd.s32 $0xFFFFFFFF  }
0xa5: {  	s26 =	simm.s32 $execute0_lowered;
	[smem:$0x3FD2] =	sst s25  }
0xa6: {  	s5 =	sshll.u32 s26, $0x1;
	_ =	strace $0x80000046;
	[dreg:$0x1] =	wrdreg $0xFFFFFFFF  }
0xa7: {  	s28 =	simm.s32 $_size_execute0_lowered;
	s3 =	sadd.s32 s3, s5;
	[dreg:$0x0] =	wrdreg $0x0  }
0xa8: {  	s5 =	sshll.u32 s28, $0x1;
	[dreg:$0x2] =	wrdreg s3  }
0xa9: {  	[dreg:$0x3] =	wrdreg s5  }
0xaa: {  	[dreg:$0x4] =	wrdreg $0xC0  }
0xab: {  	_ =	task [dreg:s7], $0x5FFFF  }
0xac: {  	[dreg:$0x1] =	wrdreg $0xFFFFFFFF  }
0xad: {  	[dreg:$0x0] =	wrdreg $0x60  }
0xae: {  	[dreg:$0x2] =	wrdreg s24  }
0xaf: {  	[dreg:$0x3] =	wrdreg s2  }
0xb0: {  	[dreg:$0x4] =	wrdreg $0x9  }
0xb1: {  	_ =	task.clear_ibuf [dreg:s7], $0x5FFFF;
	_ =	strace $0x90000046  }
0xb2: {  	s29 =	simm.s32 $0x9;
	_ =	strace $0x80000048  }
0xb3: {  	_ =	swait.ge [sflag:s29], $0x1  }
0xb4: {  	[sflag:s29] =	ssyncadd.s32 $0xFFFFFFFF  }
0xb5: {  	_ =	strace $0x90000048  }
0xb6: {  	_ =	sfence  }
0xb7: {  	s30 =	sld [smem:$0x0];
	_ =	sdelay $0x2  }
0xb8: {  	s31 =	sshll.u32 s1, $0xD;
	s1 =	sshrl.u32 s1, $0x2  }
0xb9: {  	s3 =	sand.u32 $0x4000, s31;
	s1 =	sadd.s32 s1, s30  }
0xba: {  	s0 =	sor.u32 s3, s0;
	s1 =	sshll.u32 s1, $0x11  }
0xbb: {  	s0 =	sor.u32 s1, s0  }
0xbc: {  	s0 =	sadd.s32 $0x8F2B, s0  }
0xbd: {  	[sflag:s0] =	ssyncadd.remote.s32 $0x1  }
0xbe: {  	_ =	sfence.sel $0xFFFF  }
0xbf: {  	[dreg:$0x0] =	wrdreg $0xFFFFFFFF;
	(pc) =	sbr.abs _section_cstart, $3  }
0xc0: {  	[dreg:$0x1] =	wrdreg $0xFFFFFFFF  }
0xc1: {  	_ =	task.clear_ibuf [dreg:s7], $0x2FFFF;
	_ =	strace $0x9FFFFFFF  }
0xc2: {  	(tm) =	ssettm $0x7FFFFFFF  }
0xc3: {  	_ =	shalt  }
tec
execute0_lowered:
.L_overlay_start_1:
0x0: {  	(tag) =	ssettag $0x1  }
0x1: {  	s2 =	rddreg [dreg:$0x0]  }
0x2: {  	s3 =	rddreg [dreg:$0x1]  }
0x3: {  	s0 =	rddreg [dreg:$0x2];
	s1 =	srdreg.scid;
	_ =	strace $0x80000047  }
0x4: {  	s4 =	simm.s32 $0x1;
	s9 =	simm.s32 $0x3;
	s5 =	sshll.u32 s1, $0x4  }
.Ltmp0:
0x5: {  	s1 =	stileid.u32;
	s5 =	sand.u32 $0x10, s5;
	(pc) =	sbr.rel .LBB2_1-.Ltmp0, $4  }
0x6: {  	s12 =	simm.s32 $0x0;
	s10 =	simm.s32 $0x0;
	s6 =	sor.u32 s1, s5  }
0x7: {  	[sflag:s4] =	ssyncpa.u1 $0x0;
	s5 =	simm.s32 $0x2;
	s6 =	sshll.u32 s6, $0x7  }
0x8: {  	s7 =	sadd.s32 $0x21000, s2;
	[sflag:s5] =	ssyncpa.u1 $0x0;
	s8 =	sadd.s32 $0x80, s6  }
0x9: {  	vm0 =	vmmov $0xff;
	vm1 =	vcmask $0x3F20;
	[sflag:s9] =	ssyncpa.u1 $0x0;
	s9 =	simm.s32 $0x80;
	s11 =	smov.u32 s6  }
.LBB2_9:
0xa: {  	p0 =	seq.s32 s10, $0x2  }
.Ltmp1:
0xb: {  	_ = 	snop;
	(pc) =	sbr.rel @p0 .LBB2_11-.Ltmp1, $1  }
0xc: {  	_ =	sdelay $0x3  }
.LBB2_10:
0xd: {  	s12 =	sadd.s32 $0x80, s11  }
0xe: {  	s13 =	smov.u32 s6;
	p0 =	slt.s32 s12, s8  }
0xf: {  	s13 =	smov.u32 @p0 s12  }
0x10: {  	s10 =	sadd.s32 $0x1, s10;
	s12 =	smov.u32 s11;
	s11 =	smov.u32 s13  }
.LBB2_1:
0x11: {  	p0 =	sne.s32 s10, $0x0  }
.Ltmp2:
0x12: {  	_ = 	snop;
	(pc) =	sbr.rel @!p0 .LBB2_2-.Ltmp2, $1  }
0x13: {  	_ =	sdelay $0x3  }
0x14: {  	s13 =	sand.u32 $0x1, s10  }
0x15: {  	p0 =	seq.s32 s13, $0x0  }
.Ltmp3:
0x16: {  	_ = 	snop;
	(pc) =	sbr.rel @p0 .LBB2_9-.Ltmp3, $1  }
0x17: {  	_ =	sdelay $0x3  }
0x18: {  	_ =	swait.ge [sflag:s5], $0x80  }
0x19: {  	[sflag:s5] =	ssyncset.done $0x0  }
0x1a: {  	s13 =	simm.s32 $0x0;
	[sflag:s5] =	ssyncadd.s32 $0xFFFFFF80  }
0x1b: {  	v0 =	vld.msk [tilespmem:s13+$0x80 ss:$0x1], $0xffff;
	_ =	sdelay $0x4  }
0x1c: {  	v1 =	vshll.u32 v0, $0x5  }
0x1d: {  	vm2 =	veq.s32 v0, $0x80000000;
	v0 =	vshll.u32 v0, $0x12;
	v1 =	vand.u32 $0x3FF80, v1  }
0x1e: {  	v0 =	vand.u32 $0xC0000, v0;
	v1 =	vsel vm2, $0xFFFFFF80, v1  }
0x1f: {  	v0 =	vsel vm2, $0xFFFC0000, v0;
	v2 =	vand.u32 $0xFFFFFC00, v1  }
0x20: {  	v1 =	vand.u32 $0x380, v1;
	v0 =	vadd.s32 v0, v2  }
0x21: {  	v0 =	vor.u32 v1, v0  }
0x22: {  	v0 =	vshrl.u32 v0, $0x3;
	_ =	sdelay $0x3  }
0x23: {  	s13 =	simm.s32 $0x4100  }
0x24: {  	[tilespmem:s13], [sflag:$0x1] =	stream.indirect_vreg.gather [hbm:s2], $0x80, v0, vm0, $0x38;
	[tilespmem:$0x8100] =	vst v63  }
0x25: {  	s14 =	simm.s32 $0x4500;
	s31 =	simm.s32 $0x10  }
0x26: {  	[tilespmem:s14], [sflag:$0x1] =	stream.indirect_vreg.gather [hbm:s2], $0x80, v0, vm1, $0x38;
	[tilespmem:$0x8100] =	vst v63  }
0x27: {  	s14 =	simm.s32 $0x80;
	v0 =	vld.msk [tilespmem:s31+$0x80 ss:$0x1], $0xffff  }
.LBB2_5:
0x28: {  	p0 =	sne.s32 s14, $0x1C0;
	_ =	sdelay $0x4  }
0x29: {  	v1 =	vshll.u32 v0, $0x5  }
0x2a: {  	vm2 =	veq.s32 v0, $0x80000000;
	v0 =	vshll.u32 v0, $0x12;
	v1 =	vand.u32 $0x3FF80, v1  }
0x2b: {  	v0 =	vand.u32 $0xC0000, v0;
	v1 =	vsel vm2, $0xFFFFFF80, v1  }
0x2c: {  	v0 =	vsel vm2, $0xFFFC0000, v0;
	v2 =	vand.u32 $0xFFFFFC00, v1  }
0x2d: {  	v1 =	vand.u32 $0x380, v1;
	v0 =	vadd.s32 v0, v2  }
0x2e: {  	v0 =	vor.u32 v1, v0  }
0x2f: {  	v0 =	vshrl.u32 v0, $0x3;
	_ =	sdelay $0x3  }
.Ltmp4:
0x30: {  	s13 =	sadd.s32 $0x800, s13;
	(pc) =	sbr.rel @p0 .LBB2_5-.Ltmp4, $4  }
0x31: {  	[tilespmem:s13], [sflag:$0x1] =	stream.indirect_vreg.gather [hbm:s2], $0x80, v0, vm0, $0x38;
	[tilespmem:$0x8100] =	vst v63  }
0x32: {  	s15 =	sshra.s32 s14, $0x2;
	s16 =	sadd.s32 $0x400, s13  }
0x33: {  	[tilespmem:s16], [sflag:$0x1] =	stream.indirect_vreg.gather [hbm:s2], $0x80, v0, vm1, $0x38;
	[tilespmem:$0x8100] =	vst v63  }
0x34: {  	s14 =	sadd.s32 $0x40, s14;
	v0 =	vld.msk [tilespmem:s15+$0x80 ss:$0x1], $0xffff  }
0x35: {  	_ =	sdelay $0x3  }
0x36: {  	v1 =	vshll.u32 v0, $0x5  }
0x37: {  	vm2 =	veq.s32 v0, $0x80000000;
	v63 =	vshll.u32 v0, $0x12;
	v1 =	vand.u32 $0x3FF80, v1  }
0x38: {  	v0 =	vand.u32 $0xC0000, v63;
	v1 =	vsel vm2, $0xFFFFFF80, v1  }
0x39: {  	v0 =	vsel vm2, $0xFFFC0000, v0;
	v2 =	vand.u32 $0xFFFFFC00, v1  }
0x3a: {  	v1 =	vand.u32 $0x380, v1;
	v0 =	vadd.s32 v0, v2  }
0x3b: {  	v0 =	vor.u32 v1, v0  }
0x3c: {  	v0 =	vshrl.u32 v0, $0x3;
	_ =	sdelay $0x3  }
0x3d: {  	s13 =	sadd.s32 $0x800, s13  }
0x3e: {  	[tilespmem:s13], [sflag:$0x1] =	stream.indirect_vreg.gather [hbm:s2], $0x80, v0, vm0, $0x38;
	[tilespmem:$0x8100] =	vst v63  }
0x3f: {  	s13 =	sadd.s32 $0x400, s13  }
0x40: {  	[tilespmem:s13], [sflag:$0x1] =	stream.indirect_vreg.gather [hbm:s2], $0x80, v0, vm1, $0x38;
	[tilespmem:$0x8100] =	vst v63  }
0x41: {  	s12 =	sshll.u32 s12, $0x4;
	s14 =	simm.s32 $0x80;
	_ =	swait.ge [sflag:s4], $0x4000  }
0x42: {  	s15 =	simm.s32 $0x4500;
	s12 =	sadd.s32 s12, s7;
	[sflag:s4] =	ssyncset.done $0x0  }
0x43: {  	s16 =	sadd.s32 $0x0, s12;
	s13 =	simm.s32 $0x4100;
	[sflag:s4] =	ssyncadd.s32 $0xFFFFC000  }
.LBB2_7:
0x44: {  	[hbm:s16] =	stream.linear.scatter [tilespmem:s13], [sflag:$0x3], $0x400, $0x38;
	[tilespmem:$0x8100] =	vst v63  }
0x45: {  	s16 =	smov.u32 s14;
	s13 =	smov.u32 s15;
	p0 =	sne.s32 s14, $0x780  }
.Ltmp5:
0x46: {  	s14 =	sadd.s32 $0x80, s14;
	(pc) =	sbr.rel @p0 .LBB2_7-.Ltmp5, $2  }
0x47: {  	_ =	sdelay $0x2  }
0x48: {  	s15 =	sadd.s32 $0x400, s15;
	s16 =	sadd.s32 s16, s12  }
.Ltmp6:
0x49: {  	(pc) =	sbr.rel .LBB2_9-.Ltmp6, $2  }
0x4a: {  	_ =	sdelay $0x2  }
0x4b: {  	[hbm:s16] =	stream.linear.scatter [tilespmem:s13], [sflag:$0x3], $0x400, $0x38;
	[tilespmem:$0x8100] =	vst v63  }
.LBB2_2:
.Ltmp7:
0x4c: {  	(pc) =	sbr.rel .LBB2_10-.Ltmp7, $4  }
0x4d: {  	_ = 	snop  }
0x4e: {  	s12 =	sshrl.u32 s11, $0x3  }
0x4f: {  	s13 =	sand.u32 $0x7, s11;
	s12 =	sadd.s32 s3, s12  }
0x50: {  	[tilespmem:s9], [sflag:$0x2] =	stream.linear.gather [hbm4b:s12+s13], $0x80, $0x38;
	[tilespmem:$0x8100] =	vst v63  }
.LBB2_11:
0x51: {  	s2 =	simm.s32 $0x3  }
0x52: {  	_ =	swait.ge [sflag:s2], $0x4000  }
0x53: {  	[sflag:s2] =	ssyncset.done $0x0  }
0x54: {  	[sflag:s2] =	ssyncadd.s32 $0xFFFFC000  }
0x55: {  	_ =	sfence.sel $0x180000  }
0x56: {  	s3 =	simm.s32 $0x2;
	[bflag:$0x0] =	sbarrier.arrive $0xFFFF  }
0x57: {  	[sflag:s3] =	ssyncpa.u1 $0x1  }
0x58: {  	s31 =	simm.s32 $0x1;
	[sflag:s2] =	ssyncpa.u1 $0x1  }
0x59: {  	[sflag:s31] =	ssyncpa.u1 $0x1  }
0x5a: {  	p0 =	sne.s32 s1, $0x0;
	_ =	strace $0x90000047  }
0x5b: {  	s0 =	sadd.s32 @!p0 $0x100000, s0;
	[bflag:$0x2] =	sbarrier.arrive $0xFFFF  }
0x5c: {  	[sflag:s0] =	ssyncadd.tile.s32 @!p0 $0x1;
	_ =	shalt  }
.Lfunc_end2:
_tile_overlayer_lowered:
.L_overlay_start_2:
0x5d: {  	(tag) =	ssettag $0x2  }
0x5e: {  	s0 =	rddreg [dreg:$0x0];
	s2 =	stileid.u32  }
0x5f: {  	s1 =	rddreg [dreg:$0x1];
	p0 =	sne.s32 s2, $0x0  }
0x60: {  	s3 =	rddreg [dreg:$0x2];
	[bflag:$0x3] =	sbarrier.arrive $0xFFFF;
	s2 =	simm.s32 @!p0 $0x1C01  }
0x61: {  	[timem:s3], [sflag:s2] =	dma.local @!p0 [hbm:s0], s1  }
0x62: {  	s0 =	simm.s32 @!p0 $0x1  }
0x63: {  	_ =	swait.ge @!p0 [sflag:s0], s1  }
0x64: {  	s1 =	ssub.s32 @!p0 $0x0, s1;
	[sflag:s0] =	ssyncset.done @!p0 $0x0  }
0x65: {  	[sflag:s0] =	ssyncadd.s32 @!p0 s1  }
0x66: {  	[bflag:$0x3] =	sbarrier.arrive $0xFFFF  }
0x67: {  	_ =	shalt  }

// kernel: sparse-core-data-format-call.1.cloned.1.call-start
scs
called_computation.1_lowered:
.L_overlay_start_0:
0x0: {  	s1 =	sld [smem:$0x3FD9]  }
0x1: {  	s2 =	sld [smem:$0x3FFE];
	_ =	sdelay $0x1  }
0x2: {  	s3 =	srdreg.scid  }
0x3: {  	s0 =	sand.u32 $0x1, s3  }
0x4: {  	s17 =	sshll.u32 s0, $0xA;
	s1 =	sadd.s32 s2, s1  }
0x5: {  	s1 =	sadd.s32 s1, s17  }
0x6: {  	[smem:$0x3F61] =	sst s1  }
0x7: {  	_ = 	snop  }
0x8: {  	(tm) =	ssettm $0x1  }
0x9: {  	s18 =	sld [smem:$0x3FFB];
	_ =	sdelay $0x3  }
0xa: {  	_ =	strace s18  }
0xb: {  	s1 =	sld [smem:$0x3FFC];
	_ =	sdelay $0x3  }
0xc: {  	_ =	strace s1  }
0xd: {  	s1 =	sld [smem:$0x3FFD];
	_ =	sdelay $0x3  }
0xe: {  	_ =	strace s1  }
0xf: {  	_ =	strace $0x8FFFFFFF  }
0x10: {  	s19 =	sld [smem:$0x3FDB];
	_ =	sdelay $0x1  }
0x11: {  	s20 =	simm.s32 $_scs_section_size  }
0x12: {  	s4 =	simm.s32 $_size__tile_overlayer_lowered;
	s5 =	simm.s32 $_tile_overlayer_lowered  }
0x13: {  	s23 =	simm.s32 $0x1BFF;
	s22 =	sshll.u32 s5, $0x1;
	s1 =	sadd.s32 s20, s19  }
0x14: {  	s6 =	simm.s32 $0x0;
	s21 =	sshll.u32 s4, $0x1;
	s4 =	sadd.s32 s22, s1  }
0x15: {  	[timem:s6], [sflag:s23] =	dma.local [hbm:s4], s21  }
0x16: {  	_ =	swait.ge [sflag:s23], s21  }
0x17: {  	s2 =	ssub.s32 $0x0, s21;
	[sflag:s23] =	ssyncset.done $0x0  }
0x18: {  	[sflag:s23] =	ssyncadd.s32 s2;
	_ =	sdelay $0x1  }
0x19: {  	s24 =	simm.s32 $0x1B8B  }
0x1a: {  	_ =	swait.ge [sflag:s24], $0x1  }
0x1b: {  	[sflag:s24] =	ssyncset.done $0x0  }
0x1c: {  	s26 =	simm.s32 $0x1B8E;
	s25 =	sld [smem:$0x3FFE];
	[sflag:s24] =	ssyncadd.s32 $0xFFFFFFFF  }
0x1d: {  	s27 =	simm.s32 $execute0_lowered;
	[smem:$0x3FD2] =	sst s26  }
0x1e: {  	s4 =	sshll.u32 s27, $0x1;
	_ =	strace $0x80000049;
	[dreg:$0x1] =	wrdreg $0xFFFFFFFF  }
0x1f: {  	s28 =	simm.s32 $_size_execute0_lowered;
	s1 =	sadd.s32 s1, s4;
	[dreg:$0x0] =	wrdreg $0x0  }
0x20: {  	s4 =	sshll.u32 s28, $0x1;
	[dreg:$0x2] =	wrdreg s1  }
0x21: {  	[dreg:$0x3] =	wrdreg s4  }
0x22: {  	[dreg:$0x4] =	wrdreg $0xC0  }
0x23: {  	_ =	task [dreg:s6], $0x5FFFF  }
0x24: {  	[dreg:$0x1] =	wrdreg $0xFFFFFFFF  }
0x25: {  	[dreg:$0x0] =	wrdreg $0x60  }
0x26: {  	[dreg:$0x2] =	wrdreg s25  }
0x27: {  	[dreg:$0x3] =	wrdreg $0xA  }
0x28: {  	_ =	task.clear_ibuf [dreg:s6], $0x4FFFF;
	_ =	strace $0x90000049  }
0x29: {  	s29 =	simm.s32 $0xA;
	_ =	strace $0x8000004B  }
0x2a: {  	_ =	swait.ge [sflag:s29], $0x1  }
0x2b: {  	[sflag:s29] =	ssyncadd.s32 $0xFFFFFFFF  }
0x2c: {  	_ =	strace $0x9000004B  }
0x2d: {  	_ =	sfence  }
0x2e: {  	s30 =	sld [smem:$0x0];
	_ =	sdelay $0x2  }
0x2f: {  	s31 =	sshll.u32 s3, $0xD;
	s3 =	sshrl.u32 s3, $0x2  }
0x30: {  	s2 =	sand.u32 $0x4000, s31;
	s1 =	sadd.s32 s3, s30  }
0x31: {  	s0 =	sor.u32 s2, s0;
	s1 =	sshll.u32 s1, $0x11  }
0x32: {  	s0 =	sor.u32 s1, s0  }
0x33: {  	s0 =	sadd.s32 $0x8F2B, s0  }
0x34: {  	[sflag:s0] =	ssyncadd.remote.s32 $0x1  }
0x35: {  	_ =	sfence.sel $0xFFFF  }
0x36: {  	[dreg:$0x0] =	wrdreg $0xFFFFFFFF;
	(pc) =	sbr.abs _section_cstart, $3  }
0x37: {  	[dreg:$0x1] =	wrdreg $0xFFFFFFFF  }
0x38: {  	_ =	task.clear_ibuf [dreg:s6], $0x2FFFF;
	_ =	strace $0x9FFFFFFF  }
0x39: {  	(tm) =	ssettm $0x7FFFFFFF  }
tec
execute0_lowered:
.L_overlay_start_1:
0x0: {  	(tag) =	ssettag $0x1  }
0x1: {  	s0 =	stileid.u32;
	s1 =	srdreg.scid  }
0x2: {  	s4 =	rddreg [dreg:$0x0];
	s7 =	simm.s32 $0x1;
	s31 =	simm.s32 $0x2  }
0x3: {  	s16 =	simm.s32 $0x0;
	s2 =	sshll.u32 s0, $0x5;
	s1 =	sshll.u32 s1, $0x9  }
0x4: {  	s9 =	simm.s32 $0x2000;
	s14 =	simm.s32 $0x0;
	s1 =	sor.u32 s2, s1  }
0x5: {  	s15 =	simm.s32 $0x0;
	s10 =	simm.s32 $0x0;
	s2 =	sand.u32 $0x380, s1  }
0x6: {  	s13 =	simm.s32 $0x0;
	s3 =	sadd.s32 $0xD2000, s4;
	s5 =	ssub.s32 $0x400, s2  }
0x7: {  	s4 =	sadd.s32 $0x2D2000, s4;
	s1 =	rddreg [dreg:$0x1];
	s6 =	sand.u32 $0x380, s5  }
.Ltmp0:
0x8: {  	_ =	strace $0x8000004A;
	p0 =	sne.s32 s6, $0x0;
	(pc) =	sbr.rel .LBB1_1-.Ltmp0, $4  }
0x9: {  	s11 =	smov.u32 s2;
	s8 =	sshrl.u32 s5, $0xA;
	s7 =	simm.s32 @!p0 $0x0  }
0xa: {  	s5 =	sand.u32 $0x3, s0;
	s6 =	simm.s32 $0x1;
	s7 =	sadd.s32 s7, s8  }
0xb: {  	s12 =	smov.u32 s5;
	[sflag:s6] =	ssyncpa.u1 $0x0;
	s7 =	sshll.u32 s7, $0x4  }
0xc: {  	p0 =	por $0x0, $0x0;
	[sflag:s31] =	ssyncpa.u1 $0x0;
	s8 =	sor.u32 $0x1, s7  }
.LBB1_4:
0xd: {  	v5 =	vld [tilespmem:s20+$0xFFFFFFD0];
	[tilespmem:s19+$0x2040 ss:$0x81] =	vst.msk $0xffff, v1  }
0xe: {  	v58 =	vld [tilespmem:s20+$0xFFFFFFE0];
	[tilespmem:s19+$0x2850 ss:$0x81] =	vst.msk $0xffff, v2  }
0xf: {  	s21 =	sshra.s32 s21, $0x2;
	v59 =	vld [tilespmem:s20+$0xFFFFFFF0];
	[tilespmem:s19+$0x3060 ss:$0x81] =	vst.msk $0xffff, v3  }
0x10: {  	v60 =	vld [tilespmem:s20+$0x0];
	[tilespmem:s19+$0x0 ss:$0x81] =	vst.msk $0xffff, v0;
	s18 =	sadd.s32 s21, s18  }
0x11: {  	v61 =	vld [tilespmem:s20+$0x10];
	[tilespmem:s18+$0x3870 ss:$0x81] =	vst.msk $0xffff, v4  }
0x12: {  	v62 =	vld [tilespmem:s20+$0x20];
	s26 =	sshll.u32 s16, $0xA;
	s27 =	sshll.u32 s14, $0x3;
	[tilespmem:s18+$0x810 ss:$0x81] =	vst.msk $0xffff, v5  }
0x13: {  	v63 =	vld [tilespmem:s20+$0xFFFFFFC0];
	s29 =	sshll.u32 s16, $0x7;
	s30 =	sand.u32 $0x78, s14;
	s15 =	sshll.u32 s15, $0x12;
	[tilespmem:s18+$0x1020 ss:$0x81] =	vst.msk $0xffff, v58  }
0x14: {  	s19 =	sand.u32 $0x1FE000, s26;
	s28 =	sand.u32 $0x1FFC00, s27;
	s16 =	sand.u32 $0x380, s29;
	[tilespmem:s18+$0x1830 ss:$0x81] =	vst.msk $0xffff, v59  }
0x15: {  	s31 =	sand.u32 $0x7, s14;
	s19 =	sadd.s32 s28, s19;
	s16 =	sor.u32 s30, s16;
	[tilespmem:s18+$0x2040 ss:$0x81] =	vst.msk $0xffff, v60  }
0x16: {  	s15 =	sadd.s32 s4, s15;
	s19 =	sshrl.u32 s19, $0x3;
	s16 =	sshrl.u32 s16, $0x3;
	[tilespmem:s18+$0x2850 ss:$0x81] =	vst.msk $0xffff, v61  }
0x17: {  	s14 =	sshll.u32 s31, $0x12;
	s19 =	sand.u32 $0x3FF80, s19;
	s15 =	sadd.s32 s16, s15;
	[tilespmem:s18+$0x3060 ss:$0x81] =	vst.msk $0xffff, v62  }
0x18: {  	s14 =	sor.u32 $0x400, s14;
	[tilespmem:s18+$0x0 ss:$0x81] =	vst.msk $0xffff, v63;
	s15 =	sadd.s32 s19, s15  }
0x19: {  	[hbm4b:s15+s14] =	stream.strided.scatter [tilespmem:s17], [sflag:$0x2], $0x4000, s9, s14, $0x20;
	[tilespmem:$0x10100] =	vst v63  }
.LBB1_5:
0x1a: {  	s17 =	sadd.s32 $0x80, s10  }
0x1b: {  	s14 =	sadd.s32 $0x400, s11;
	s18 =	smov.u32 s11;
	p2 =	sgt.s32 s17, $0x7FF  }
0x1c: {  	s18 =	smov.u32 @p2 s14  }
0x1d: {  	s20 =	smov.u32 s12;
	s14 =	sadd.s32 $0x4, s12;
	p3 =	sgt.s32 s18, $0x3FF  }
0x1e: {  	s20 =	smov.u32 @p3 s14  }
0x1f: {  	s17 =	simm.s32 @p2 $0x0;
	p2 =	sgt.s32 s20, $0x3  }
0x20: {  	p1 =	slt.u32 s13, $0x2;
	s20 =	smov.u32 @p2 s5;
	p2 =	sne.s32 s13, s8  }
.Ltmp1:
0x21: {  	s19 =	simm.s32 @!p1 $0x2;
	(pc) =	sbr.rel @!p2 .LBB1_6-.Ltmp1, $4  }
0x22: {  	s16 =	smov.u32 s10;
	s15 =	smov.u32 s12;
	_ =	swait.ge @!p1 [sflag:s19], $0x4000  }
0x23: {  	p0 =	por !p0, !p0;
	[sflag:s19] =	ssyncset.done @!p1 $0x0;
	s10 =	smov.u32 s17  }
0x24: {  	s18 =	smov.u32 @p3 s2;
	s14 =	smov.u32 s11;
	[sflag:s19] =	ssyncadd.s32 @!p1 $0xFFFFC000  }
0x25: {  	s11 =	smov.u32 s18;
	s13 =	sadd.s32 $0x1, s13;
	s12 =	smov.u32 s20  }
.LBB1_1:
0x26: {  	p1 =	sge.u32 s13, s7;
	s31 =	sadd.s32 $0xFFFFFFFF, s13  }
0x27: {  	s17 =	sxor.u32 @!p1 $0xFFFFFFFF, s13;
	s18 =	sand.u32 @!p1 $0x78, s10;
	s19 =	sshll.u32 @!p1 s11, $0xB  }
0x28: {  	s20 =	sshll.u32 @!p1 s11, $0x7;
	s21 =	sshll.u32 @!p1 s10, $0x3;
	s17 =	sshll.u32 @!p1 s17, $0xE  }
0x29: {  	s19 =	sand.u32 @!p1 $0x1FC000, s19;
	s20 =	sand.u32 @!p1 $0x380, s20;
	s17 =	sand.u32 @!p1 $0x4000, s17  }
0x2a: {  	s19 =	sadd.s32 @!p1 s19, s21;
	s21 =	sand.u32 @!p1 $0x400, s21;
	s18 =	sor.u32 @!p1 s20, s18  }
0x2b: {  	s20 =	sshll.u32 @!p1 s12, $0x12;
	s18 =	sor.u32 @!p1 s21, s18;
	s19 =	sshrl.u32 @!p1 s19, $0x3  }
0x2c: {  	s20 =	sadd.s32 @!p1 s3, s20;
	s21 =	sand.u32 @!p1 $0x7, s10;
	s19 =	sand.u32 @!p1 $0x3FF00, s19  }
0x2d: {  	s18 =	sshrl.u32 @!p1 s18, $0x3;
	s19 =	sadd.s32 @!p1 s19, s20;
	s20 =	sshll.u32 @!p1 s21, $0x12  }
0x2e: {  	s18 =	sadd.s32 @!p1 s18, s19;
	s19 =	sor.u32 @!p1 $0x400, s20;
	s20 =	simm.s32 @!p1 $0x4000  }
0x2f: {  	[tilespmem:s17], [sflag:$0x1] =	stream.strided.gather @!p1 [hbm4b:s18+s19], $0x4000, s20, s19, $0x38;
	[tilespmem:$0x10100] =	vst v63  }
0x30: {  	p1 =	sge.u32 s31, s7  }
.Ltmp2:
0x31: {  	_ = 	snop;
	(pc) =	sbr.rel @p1 .LBB1_5-.Ltmp2, $1  }
0x32: {  	_ =	sdelay $0x3  }
0x33: {  	s17 =	simm.s32 $0x1  }
0x34: {  	_ =	swait.ge [sflag:s6], $0x4000;
	s17 =	simm.s32 @!p0 $0x0  }
0x35: {  	[sflag:s6] =	ssyncset.done $0x0;
	s18 =	sshll.u32 s17, $0xE  }
0x36: {  	[sflag:s6] =	ssyncadd.s32 $0xFFFFC000;
	s20 =	sor.u32 $0x40, s18  }
0x37: {  	s17 =	smul.u32 $0x10200, s17;
	v0 =	vld [tilespmem:s20+$0x30]  }
0x38: {  	v3 =	vld [tilespmem:s20+$0xFFFFFFD0]  }
0x39: {  	s17 =	sshrl.u32 s17, $0x2;
	v4 =	vld [tilespmem:s20+$0xFFFFFFE0]  }
0x3a: {  	v5 =	vld [tilespmem:s20+$0xFFFFFFF0];
	s18 =	sor.u32 $0x8000, s17  }
0x3b: {  	s31 =	sand.u32 $0x1, s13;
	v1 =	vld [tilespmem:s20+$0x0];
	s19 =	sadd.s32 $0x0, s18  }
0x3c: {  	v2 =	vld [tilespmem:s20+$0x10];
	s17 =	smul.u32 $0x10200, s31;
	[tilespmem:s19+$0x3870 ss:$0x81] =	vst.msk $0xffff, v0  }
0x3d: {  	[tilespmem:s19+$0x810 ss:$0x81] =	vst.msk $0xffff, v3;
	v3 =	vld [tilespmem:s20+$0x20]  }
0x3e: {  	s17 =	sshrl.u32 s17, $0x2;
	v0 =	vld [tilespmem:s20+$0xFFFFFFC0];
	[tilespmem:s19+$0x1020 ss:$0x81] =	vst.msk $0xffff, v4;
	s20 =	sadd.s32 $0x80, s20  }
0x3f: {  	s21 =	simm.s32 $0x4;
	s22 =	simm.s32 $0x8;
	s17 =	sor.u32 $0x8000, s17;
	[tilespmem:s19+$0x1830 ss:$0x81] =	vst.msk $0xffff, v5;
	v4 =	vld [tilespmem:s20+$0x30]  }
.LBB1_3:
0x40: {  	p1 =	sne.s32 s22, $0x1FC;
	v5 =	vld [tilespmem:s20+$0xFFFFFFD0];
	[tilespmem:s19+$0x2040 ss:$0x81] =	vst.msk $0xffff, v1  }
0x41: {  	v6 =	vld [tilespmem:s20+$0xFFFFFFE0];
	[tilespmem:s19+$0x2850 ss:$0x81] =	vst.msk $0xffff, v2  }
0x42: {  	s23 =	sshra.s32 s21, $0x2;
	s21 =	smov.u32 s22;
	v7 =	vld [tilespmem:s20+$0xFFFFFFF0];
	[tilespmem:s19+$0x3060 ss:$0x81] =	vst.msk $0xffff, v3  }
.Ltmp3:
0x43: {  	v1 =	vld [tilespmem:s20+$0x0];
	[tilespmem:s19+$0x0 ss:$0x81] =	vst.msk $0xffff, v0;
	s19 =	sadd.s32 s23, s18;
	(pc) =	sbr.rel @p1 .LBB1_3-.Ltmp3, $4  }
0x44: {  	v2 =	vld [tilespmem:s20+$0x10];
	[tilespmem:s19+$0x3870 ss:$0x81] =	vst.msk $0xffff, v4  }
0x45: {  	[tilespmem:s19+$0x810 ss:$0x81] =	vst.msk $0xffff, v5;
	v3 =	vld [tilespmem:s20+$0x20]  }
0x46: {  	v0 =	vld [tilespmem:s20+$0xFFFFFFC0];
	[tilespmem:s19+$0x1020 ss:$0x81] =	vst.msk $0xffff, v6;
	s20 =	sadd.s32 $0x80, s20  }
0x47: {  	s22 =	sadd.s32 $0x4, s22;
	v4 =	vld [tilespmem:s20+$0x30];
	[tilespmem:s19+$0x1830 ss:$0x81] =	vst.msk $0xffff, v7  }
.Ltmp4:
0x48: {  	_ = 	snop;
	(pc) =	sbr.rel .LBB1_4-.Ltmp4, $1  }
0x49: {  	_ =	sdelay $0x3  }
.LBB1_6:
0x4a: {  	_ =	sfence.sel $0x180000  }
0x4b: {  	s2 =	simm.s32 $0x1;
	[bflag:$0x0] =	sbarrier.arrive $0xFFFF  }
0x4c: {  	s31 =	simm.s32 $0x2;
	[sflag:s2] =	ssyncpa.u1 $0x1  }
0x4d: {  	[sflag:s31] =	ssyncpa.u1 $0x1  }
0x4e: {  	p0 =	sne.s32 s0, $0x0;
	_ =	strace $0x9000004A  }
0x4f: {  	s0 =	sadd.s32 @!p0 $0x100000, s1;
	[bflag:$0x2] =	sbarrier.arrive $0xFFFF  }
0x50: {  	[sflag:s0] =	ssyncadd.tile.s32 @!p0 $0x1;
	_ =	shalt  }
.Lfunc_end1:
_tile_overlayer_lowered:
.L_overlay_start_2:
0x51: {  	(tag) =	ssettag $0x2  }
0x52: {  	s0 =	rddreg [dreg:$0x0];
	s2 =	stileid.u32  }
0x53: {  	s1 =	rddreg [dreg:$0x1];
	p0 =	sne.s32 s2, $0x0  }
0x54: {  	s3 =	rddreg [dreg:$0x2];
	[bflag:$0x3] =	sbarrier.arrive $0xFFFF;
	s2 =	simm.s32 @!p0 $0x1C01  }
0x55: {  	[timem:s3], [sflag:s2] =	dma.local @!p0 [hbm:s0], s1  }
0x56: {  	s0 =	simm.s32 @!p0 $0x1  }
0x57: {  	_ =	swait.ge @!p0 [sflag:s0], s1  }
0x58: {  	s1 =	ssub.s32 @!p0 $0x0, s1;
	[sflag:s0] =	ssyncset.done @!p0 $0x0  }
0x59: {  	[sflag:s0] =	ssyncadd.s32 @!p0 s1  }
0x5a: {  	[bflag:$0x3] =	sbarrier.arrive $0xFFFF  }
0x5b: {  	_ =	shalt  }

// kernel: sparse-core-data-format-call.cloned.1.call-start
scs
called_computation_lowered:
.L_overlay_start_0:
0x0: {  	s2 =	sld [smem:$0x3FD9]  }
0x1: {  	s3 =	sld [smem:$0x3FFE];
	_ =	sdelay $0x1  }
0x2: {  	s1 =	srdreg.scid  }
0x3: {  	s0 =	sand.u32 $0x1, s1  }
0x4: {  	s18 =	sshll.u32 s0, $0xA;
	s2 =	sadd.s32 s3, s2  }
0x5: {  	s2 =	sadd.s32 s2, s18  }
0x6: {  	[smem:$0x3F61] =	sst s2  }
0x7: {  	_ = 	snop  }
0x8: {  	(tm) =	ssettm $0x1  }
0x9: {  	s19 =	sld [smem:$0x3FFB];
	_ =	sdelay $0x3  }
0xa: {  	_ =	strace s19  }
0xb: {  	s2 =	sld [smem:$0x3FFC];
	_ =	sdelay $0x3  }
0xc: {  	_ =	strace s2  }
0xd: {  	s2 =	sld [smem:$0x3FFD];
	_ =	sdelay $0x3  }
0xe: {  	_ =	strace s2  }
0xf: {  	_ =	strace $0x8FFFFFFF  }
0x10: {  	s20 =	sld [smem:$0x3FDB];
	_ =	sdelay $0x1  }
0x11: {  	s21 =	simm.s32 $_scs_section_size  }
0x12: {  	s4 =	simm.s32 $_size__tile_overlayer_lowered;
	s5 =	simm.s32 $_tile_overlayer_lowered  }
0x13: {  	s6 =	simm.s32 $0x1BFF;
	s22 =	sshll.u32 s5, $0x1;
	s3 =	sadd.s32 s21, s20  }
0x14: {  	s23 =	simm.s32 $0x0;
	s4 =	sshll.u32 s4, $0x1;
	s5 =	sadd.s32 s22, s3  }
0x15: {  	[timem:s23], [sflag:s6] =	dma.local [hbm:s5], s4  }
0x16: {  	_ =	swait.ge [sflag:s6], s4  }
0x17: {  	s4 =	ssub.s32 $0x0, s4;
	[sflag:s6] =	ssyncset.done $0x0  }
0x18: {  	[sflag:s6] =	ssyncadd.s32 s4;
	_ =	sdelay $0x1  }
0x19: {  	s24 =	simm.s32 $0x1B8B  }
0x1a: {  	_ =	swait.ge [sflag:s24], $0x1  }
0x1b: {  	[sflag:s24] =	ssyncset.done $0x0  }
0x1c: {  	[sflag:s24] =	ssyncadd.s32 $0xFFFFFFFF  }
0x1d: {  	s4 =	sld [smem:$0x0]  }
0x1e: {  	s5 =	sand.u32 $0xFFFFFFFE, s1  }
0x1f: {  	p0 =	sne.s32 s1, s5  }
0x20: {  	s5 =	sshll.u32 @p0 s5, $0xE  }
0x21: {  	s5 =	sadd.s32 @p0 $0x11B8D, s5;
	s6 =	sshll.u32 @p0 s4, $0x11  }
0x22: {  	s5 =	sor.u32 @p0 s6, s5  }
0x23: {  	[sflag:s5] =	ssyncadd.remote.s32 @p0 $0x1;
	_ =	sdelay $0x1  }
0x24: {  	s5 =	simm.s32 @p0 $0x1B8D  }
0x25: {  	_ =	swait.eq @p0 [sflag:s5], $0x1  }
0x26: {  	[sflag:s5] =	ssyncadd.s32 @p0 $0xFFFFFFFF  }
0x27: {  	s6 =	sshll.u32 @!p0 s1, $0xE  }
0x28: {  	s6 =	sor.u32 @!p0 $0x4000, s6;
	s5 =	simm.s32 @!p0 $0x1B8D  }
0x29: {  	s4 =	sshll.u32 @!p0 s4, $0x11;
	s6 =	sadd.s32 @!p0 $0x11B8D, s6;
	_ =	swait.eq @!p0 [sflag:s5], $0x1  }
0x2a: {  	s4 =	sor.u32 @!p0 s4, s6;
	[sflag:s5] =	ssyncadd.s32 @!p0 $0xFFFFFFFF  }
0x2b: {  	s26 =	simm.s32 $0x1B8E;
	s25 =	sld [smem:$0x3FFE];
	[sflag:s4] =	ssyncadd.remote.s32 @!p0 $0x1  }
0x2c: {  	s27 =	simm.s32 $execute0_lowered;
	[smem:$0x3FD2] =	sst s26  }
0x2d: {  	s5 =	sshll.u32 s27, $0x1;
	_ =	strace $0x8000004C;
	[dreg:$0x1] =	wrdreg $0xFFFFFFFF  }
0x2e: {  	s28 =	simm.s32 $_size_execute0_lowered;
	s3 =	sadd.s32 s3, s5;
	[dreg:$0x0] =	wrdreg $0x0  }
0x2f: {  	s5 =	sshll.u32 s28, $0x1;
	[dreg:$0x2] =	wrdreg s3  }
0x30: {  	[dreg:$0x3] =	wrdreg s5  }
0x31: {  	[dreg:$0x4] =	wrdreg $0xC0  }
0x32: {  	_ =	task [dreg:s23], $0x5FFFF  }
0x33: {  	[dreg:$0x1] =	wrdreg $0xFFFFFFFF  }
0x34: {  	[dreg:$0x0] =	wrdreg $0x60  }
0x35: {  	[dreg:$0x2] =	wrdreg s25  }
0x36: {  	[dreg:$0x3] =	wrdreg $0x9  }
0x37: {  	_ =	task.clear_ibuf [dreg:s23], $0x4FFFF;
	_ =	strace $0x9000004C  }
0x38: {  	s29 =	simm.s32 $0x9;
	_ =	strace $0x8000004E  }
0x39: {  	_ =	swait.ge [sflag:s29], $0x1  }
0x3a: {  	[sflag:s29] =	ssyncadd.s32 $0xFFFFFFFF  }
0x3b: {  	_ =	strace $0x9000004E  }
0x3c: {  	_ =	sfence  }
0x3d: {  	s30 =	sld [smem:$0x0];
	_ =	sdelay $0x2  }
0x3e: {  	s31 =	sshll.u32 s1, $0xD;
	s1 =	sshrl.u32 s1, $0x2  }
0x3f: {  	s4 =	sand.u32 $0x4000, s31;
	s1 =	sadd.s32 s1, s30  }
0x40: {  	s0 =	sor.u32 s4, s0;
	s1 =	sshll.u32 s1, $0x11  }
0x41: {  	s0 =	sor.u32 s1, s0  }
0x42: {  	s0 =	sadd.s32 $0x8F2B, s0  }
0x43: {  	[sflag:s0] =	ssyncadd.remote.s32 $0x1  }
0x44: {  	_ =	sfence.sel $0xFFFF  }
0x45: {  	[dreg:$0x0] =	wrdreg $0xFFFFFFFF;
	(pc) =	sbr.abs _section_cstart, $3  }
0x46: {  	[dreg:$0x1] =	wrdreg $0xFFFFFFFF  }
0x47: {  	_ =	task.clear_ibuf [dreg:s23], $0x2FFFF;
	_ =	strace $0x9FFFFFFF  }
0x48: {  	(tm) =	ssettm $0x7FFFFFFF  }
0x49: {  	_ =	shalt  }
tec
execute0_lowered:
.L_overlay_start_1:
0x0: {  	(tag) =	ssettag $0x1  }
0x1: {  	s0 =	stileid.u32;
	s1 =	srdreg.scid  }
0x2: {  	s4 =	rddreg [dreg:$0x0];
	s7 =	simm.s32 $0x1;
	s31 =	simm.s32 $0x2  }
0x3: {  	s16 =	simm.s32 $0x0;
	s2 =	sshll.u32 s0, $0x5;
	s1 =	sshll.u32 s1, $0x9  }
0x4: {  	s9 =	simm.s32 $0x4000;
	s14 =	simm.s32 $0x0;
	s1 =	sor.u32 s2, s1  }
0x5: {  	s15 =	simm.s32 $0x0;
	s10 =	simm.s32 $0x0;
	s2 =	sand.u32 $0x380, s1  }
0x6: {  	s13 =	simm.s32 $0x0;
	s3 =	sadd.s32 $0x1D2000, s4;
	s5 =	ssub.s32 $0x800, s2  }
0x7: {  	s4 =	sadd.s32 $0x3D2000, s4;
	s1 =	rddreg [dreg:$0x1];
	s6 =	sand.u32 $0x380, s5  }
.Ltmp0:
0x8: {  	_ =	strace $0x8000004D;
	p0 =	sne.s32 s6, $0x0;
	(pc) =	sbr.rel .LBB1_1-.Ltmp0, $4  }
0x9: {  	s11 =	smov.u32 s2;
	s8 =	sshrl.u32 s5, $0xA;
	s7 =	simm.s32 @!p0 $0x0  }
0xa: {  	s5 =	sand.u32 $0x3, s0;
	s6 =	simm.s32 $0x1;
	s7 =	sadd.s32 s7, s8  }
0xb: {  	s12 =	smov.u32 s5;
	[sflag:s6] =	ssyncpa.u1 $0x0;
	s7 =	sshll.u32 s7, $0x3  }
0xc: {  	p0 =	por $0x0, $0x0;
	[sflag:s31] =	ssyncpa.u1 $0x0;
	s8 =	sor.u32 $0x1, s7  }
.LBB1_4:
0xd: {  	v5 =	vld [tilespmem:s19+$0xFFFFFFD0]  }
0xe: {  	[tilespmem:s20+$0x2040 ss:$0x81] =	vst.msk $0xffff, v1;
	v58 =	vld [tilespmem:s19+$0xFFFFFFE0]  }
0xf: {  	[tilespmem:s20+$0x2850 ss:$0x81] =	vst.msk $0xffff, v2;
	v59 =	vld [tilespmem:s19+$0xFFFFFFF0]  }
0x10: {  	s21 =	sshra.s32 s21, $0x2;
	[tilespmem:s20+$0x3060 ss:$0x81] =	vst.msk $0xffff, v3;
	v60 =	vld [tilespmem:s19+$0x0]  }
0x11: {  	[tilespmem:s20+$0x0 ss:$0x81] =	vst.msk $0xffff, v0;
	v61 =	vld [tilespmem:s19+$0x10];
	s18 =	sadd.s32 s21, s18  }
0x12: {  	s26 =	sshll.u32 s16, $0xB;
	v62 =	vld [tilespmem:s19+$0x20];
	[tilespmem:s18+$0x3870 ss:$0x81] =	vst.msk $0xffff, v4  }
0x13: {  	s27 =	sand.u32 $0x78, s14;
	s22 =	sshll.u32 s14, $0x3;
	v63 =	vld [tilespmem:s19+$0xFFFFFFC0];
	s29 =	sshll.u32 s16, $0x7;
	[tilespmem:s18+$0x810 ss:$0x81] =	vst.msk $0xffff, v5  }
0x14: {  	s15 =	sshll.u32 s15, $0x12;
	s20 =	sand.u32 $0x1FC000, s26;
	s28 =	sand.u32 $0x1FFC00, s22;
	[tilespmem:s18+$0x1020 ss:$0x81] =	vst.msk $0xffff, v58  }
0x15: {  	s31 =	sand.u32 $0x7, s14;
	s22 =	sand.u32 $0x400, s22;
	s19 =	sadd.s32 s28, s20;
	[tilespmem:s18+$0x1830 ss:$0x81] =	vst.msk $0xffff, v59  }
0x16: {  	s16 =	sand.u32 $0x380, s29;
	s30 =	sor.u32 s27, s22;
	s19 =	sshrl.u32 s19, $0x3;
	[tilespmem:s18+$0x2040 ss:$0x81] =	vst.msk $0xffff, v60  }
0x17: {  	s15 =	sadd.s32 s4, s15;
	s16 =	sor.u32 s16, s30;
	s19 =	sand.u32 $0x3FF00, s19;
	[tilespmem:s18+$0x2850 ss:$0x81] =	vst.msk $0xffff, v61  }
0x18: {  	s14 =	sshll.u32 s31, $0x12;
	s16 =	sshrl.u32 s16, $0x3;
	[tilespmem:s18+$0x3060 ss:$0x81] =	vst.msk $0xffff, v62;
	s15 =	sadd.s32 s19, s15  }
0x19: {  	s14 =	sor.u32 $0x400, s14;
	[tilespmem:s18+$0x0 ss:$0x81] =	vst.msk $0xffff, v63;
	s15 =	sadd.s32 s16, s15  }
0x1a: {  	[hbm4b:s15+s14] =	stream.strided.scatter [tilespmem:s17], [sflag:$0x2], $0x4000, s9, s14, $0x20;
	[tilespmem:$0x10100] =	vst v63  }
.LBB1_5:
0x1b: {  	s17 =	sadd.s32 $0x80, s10  }
0x1c: {  	s14 =	sadd.s32 $0x400, s11;
	s18 =	smov.u32 s11;
	p2 =	sgt.s32 s17, $0x3FF  }
0x1d: {  	s18 =	smov.u32 @p2 s14  }
0x1e: {  	s20 =	smov.u32 s12;
	s14 =	sadd.s32 $0x4, s12;
	p3 =	sgt.s32 s18, $0x7FF  }
0x1f: {  	s20 =	smov.u32 @p3 s14  }
0x20: {  	s17 =	simm.s32 @p2 $0x0;
	p2 =	sgt.s32 s20, $0x3  }
0x21: {  	p1 =	slt.u32 s13, $0x2;
	s20 =	smov.u32 @p2 s5;
	p2 =	sne.s32 s13, s8  }
.Ltmp1:
0x22: {  	s19 =	simm.s32 @!p1 $0x2;
	(pc) =	sbr.rel @!p2 .LBB1_6-.Ltmp1, $4  }
0x23: {  	s16 =	smov.u32 s10;
	s15 =	smov.u32 s12;
	_ =	swait.ge @!p1 [sflag:s19], $0x4000  }
0x24: {  	p0 =	por !p0, !p0;
	[sflag:s19] =	ssyncset.done @!p1 $0x0;
	s10 =	smov.u32 s17  }
0x25: {  	s18 =	smov.u32 @p3 s2;
	s14 =	smov.u32 s11;
	[sflag:s19] =	ssyncadd.s32 @!p1 $0xFFFFC000  }
0x26: {  	s11 =	smov.u32 s18;
	s13 =	sadd.s32 $0x1, s13;
	s12 =	smov.u32 s20  }
.LBB1_1:
0x27: {  	p1 =	sge.u32 s13, s7  }
0x28: {  	s31 =	sadd.s32 $0xFFFFFFFF, s13;
	s17 =	sshll.u32 @!p1 s11, $0x7  }
0x29: {  	s18 =	sxor.u32 @!p1 $0xFFFFFFFF, s13;
	s19 =	sand.u32 @!p1 $0x78, s10;
	s20 =	sand.u32 @!p1 $0x380, s17  }
0x2a: {  	s18 =	sshll.u32 @!p1 s18, $0xE;
	s19 =	sor.u32 @!p1 s19, s20;
	s20 =	sshll.u32 @!p1 s12, $0x12  }
0x2b: {  	s17 =	sand.u32 @!p1 $0x3FC00, s17;
	s19 =	sshrl.u32 @!p1 s19, $0x3;
	s20 =	sadd.s32 @!p1 s3, s20  }
0x2c: {  	s17 =	sadd.s32 @!p1 s10, s17;
	s19 =	sadd.s32 @!p1 s19, s20;
	s20 =	sand.u32 @!p1 $0x7, s10  }
0x2d: {  	s18 =	sand.u32 @!p1 $0x4000, s18;
	s17 =	sand.u32 @!p1 $0x3FF80, s17;
	s20 =	sshll.u32 @!p1 s20, $0x12  }
0x2e: {  	s17 =	sadd.s32 @!p1 s17, s19;
	s19 =	sor.u32 @!p1 $0x400, s20;
	s20 =	simm.s32 @!p1 $0x2000  }
0x2f: {  	[tilespmem:s18], [sflag:$0x1] =	stream.strided.gather @!p1 [hbm4b:s17+s19], $0x4000, s20, s19, $0x38;
	[tilespmem:$0x10100] =	vst v63  }
0x30: {  	p1 =	sge.u32 s31, s7  }
.Ltmp2:
0x31: {  	_ = 	snop;
	(pc) =	sbr.rel @p1 .LBB1_5-.Ltmp2, $1  }
0x32: {  	_ =	sdelay $0x3  }
0x33: {  	s17 =	simm.s32 $0x1  }
0x34: {  	_ =	swait.ge [sflag:s6], $0x4000;
	s17 =	simm.s32 @!p0 $0x0  }
0x35: {  	[sflag:s6] =	ssyncset.done $0x0;
	s18 =	sshll.u32 s17, $0xE  }
0x36: {  	[sflag:s6] =	ssyncadd.s32 $0xFFFFC000;
	s19 =	sor.u32 $0x40, s18  }
0x37: {  	s17 =	smul.u32 $0x10200, s17;
	v0 =	vld [tilespmem:s19+$0x30]  }
0x38: {  	v3 =	vld [tilespmem:s19+$0xFFFFFFD0]  }
0x39: {  	s17 =	sshrl.u32 s17, $0x2;
	v4 =	vld [tilespmem:s19+$0xFFFFFFE0]  }
0x3a: {  	v5 =	vld [tilespmem:s19+$0xFFFFFFF0];
	s18 =	sor.u32 $0x8000, s17  }
0x3b: {  	s31 =	sand.u32 $0x1, s13;
	v1 =	vld [tilespmem:s19+$0x0];
	s20 =	sadd.s32 $0x0, s18  }
0x3c: {  	v2 =	vld [tilespmem:s19+$0x10];
	s17 =	smul.u32 $0x10200, s31;
	[tilespmem:s20+$0x3870 ss:$0x81] =	vst.msk $0xffff, v0  }
0x3d: {  	[tilespmem:s20+$0x810 ss:$0x81] =	vst.msk $0xffff, v3;
	v3 =	vld [tilespmem:s19+$0x20]  }
0x3e: {  	s17 =	sshrl.u32 s17, $0x2;
	v0 =	vld [tilespmem:s19+$0xFFFFFFC0];
	[tilespmem:s20+$0x1020 ss:$0x81] =	vst.msk $0xffff, v4;
	s19 =	sadd.s32 $0x80, s19  }
0x3f: {  	s21 =	simm.s32 $0x4;
	s22 =	simm.s32 $0x8;
	s17 =	sor.u32 $0x8000, s17;
	[tilespmem:s20+$0x1830 ss:$0x81] =	vst.msk $0xffff, v5;
	v4 =	vld [tilespmem:s19+$0x30]  }
.LBB1_3:
0x40: {  	p1 =	sne.s32 s22, $0x1FC;
	v5 =	vld [tilespmem:s19+$0xFFFFFFD0];
	[tilespmem:s20+$0x2040 ss:$0x81] =	vst.msk $0xffff, v1  }
0x41: {  	v6 =	vld [tilespmem:s19+$0xFFFFFFE0];
	[tilespmem:s20+$0x2850 ss:$0x81] =	vst.msk $0xffff, v2  }
0x42: {  	s23 =	sshra.s32 s21, $0x2;
	s21 =	smov.u32 s22;
	v7 =	vld [tilespmem:s19+$0xFFFFFFF0];
	[tilespmem:s20+$0x3060 ss:$0x81] =	vst.msk $0xffff, v3  }
.Ltmp3:
0x43: {  	v1 =	vld [tilespmem:s19+$0x0];
	[tilespmem:s20+$0x0 ss:$0x81] =	vst.msk $0xffff, v0;
	s20 =	sadd.s32 s23, s18;
	(pc) =	sbr.rel @p1 .LBB1_3-.Ltmp3, $4  }
0x44: {  	v2 =	vld [tilespmem:s19+$0x10];
	[tilespmem:s20+$0x3870 ss:$0x81] =	vst.msk $0xffff, v4  }
0x45: {  	[tilespmem:s20+$0x810 ss:$0x81] =	vst.msk $0xffff, v5;
	v3 =	vld [tilespmem:s19+$0x20]  }
0x46: {  	v0 =	vld [tilespmem:s19+$0xFFFFFFC0];
	[tilespmem:s20+$0x1020 ss:$0x81] =	vst.msk $0xffff, v6;
	s19 =	sadd.s32 $0x80, s19  }
0x47: {  	s22 =	sadd.s32 $0x4, s22;
	v4 =	vld [tilespmem:s19+$0x30];
	[tilespmem:s20+$0x1830 ss:$0x81] =	vst.msk $0xffff, v7  }
.Ltmp4:
0x48: {  	_ = 	snop;
	(pc) =	sbr.rel .LBB1_4-.Ltmp4, $1  }
0x49: {  	_ =	sdelay $0x3  }
.LBB1_6:
0x4a: {  	_ =	sfence.sel $0x180000  }
0x4b: {  	s2 =	simm.s32 $0x1;
	[bflag:$0x0] =	sbarrier.arrive $0xFFFF  }
0x4c: {  	s31 =	simm.s32 $0x2;
	[sflag:s2] =	ssyncpa.u1 $0x1  }
0x4d: {  	[sflag:s31] =	ssyncpa.u1 $0x1  }
0x4e: {  	p0 =	sne.s32 s0, $0x0;
	_ =	strace $0x9000004D  }
0x4f: {  	s0 =	sadd.s32 @!p0 $0x100000, s1;
	[bflag:$0x2] =	sbarrier.arrive $0xFFFF  }
0x50: {  	[sflag:s0] =	ssyncadd.tile.s32 @!p0 $0x1;
	_ =	shalt  }
.Lfunc_end1:
_tile_overlayer_lowered:
.L_overlay_start_2:
0x51: {  	(tag) =	ssettag $0x2  }
0x52: {  	s0 =	rddreg [dreg:$0x0];
	s2 =	stileid.u32  }
0x53: {  	s1 =	rddreg [dreg:$0x1];
	p0 =	sne.s32 s2, $0x0  }
0x54: {  	s3 =	rddreg [dreg:$0x2];
	[bflag:$0x3] =	sbarrier.arrive $0xFFFF;
	s2 =	simm.s32 @!p0 $0x1C01  }
0x55: {  	[timem:s3], [sflag:s2] =	dma.local @!p0 [hbm:s0], s1  }
0x56: {  	s0 =	simm.s32 @!p0 $0x1  }
0x57: {  	_ =	swait.ge @!p0 [sflag:s0], s1  }
0x58: {  	s1 =	ssub.s32 @!p0 $0x0, s1;
	[sflag:s0] =	ssyncset.done @!p0 $0x0  }
0x59: {  	[sflag:s0] =	ssyncadd.s32 @!p0 s1  }
0x5a: {  	[bflag:$0x3] =	sbarrier.arrive $0xFFFF  }
0x5b: {  	_ =	shalt  }

</sc_bundles>
